<compile_context>
chip_gen: v7x
topology: tpu7x:2x2x1
jax: 0.10.2.dev20260603
libtpu: 0.0.44.dev20260713+nightly
codegen_flags: <defaults>
</compile_context>

<pallas_src>
import functools

import jax
import jax.numpy as jnp
from jax import lax
from jax.experimental import pallas as pl
from jax.experimental.pallas import tpu as pltpu
from jax.experimental.pallas import tpu_sc as plsc

N = 10000
E = 320000
D = 128
NC = 2
NS = 16
NW = NC * NS
EPT = E // NW
LC = 128
NL = 78
TAIL = EPT - NL * LC
N_PAD = 10112
ROWS_PT = N_PAD // NS


def _sc_segment_sum(recv_main, recv_tail, edge_feature):
    mesh = plsc.VectorSubcoreMesh(core_axis_name="c", subcore_axis_name="s")

    @functools.partial(
        pl.kernel,
        mesh=mesh,
        out_type=jax.ShapeDtypeStruct((NC, N_PAD, D), jnp.float32),
        scratch_types=[
            pltpu.VMEM((NL, LC), jnp.int32),
            pltpu.VMEM((1, TAIL), jnp.int32),
            pltpu.VMEM((LC, D), jnp.float32),
            pltpu.VMEM((LC, D), jnp.float32),
            pltpu.VMEM_SHARED((N_PAD, D), jnp.float32),
            pltpu.SemaphoreType.DMA,
            pltpu.SemaphoreType.DMA,
        ],
    )
    def k(idx_hbm, idxt_hbm, ef_hbm, out_hbm, idx_v, idxt_v,
          buf0, buf1, agg_sh, sem0, sem1):
        cid = lax.axis_index("c")
        sid = lax.axis_index("s")
        wid = sid * NC + cid
        zero16 = jnp.zeros((16,), jnp.float32)

        def zrow(r, carry):
            for c in range(D // 16):
                buf0[r, pl.ds(c * 16, 16)] = zero16
            return carry

        lax.fori_loop(0, LC, zrow, 0)
        zbase = sid * ROWS_PT
        for j in range(ROWS_PT // LC):
            pltpu.async_copy(buf0, agg_sh.at[pl.ds(zbase + j * LC, LC)], sem0)
        zrem = ROWS_PT % LC
        pltpu.async_copy(buf0.at[pl.ds(0, zrem)],
                         agg_sh.at[pl.ds(zbase + ROWS_PT - zrem, zrem)], sem1)
        pltpu.sync_copy(idx_hbm.at[wid], idx_v)
        pltpu.sync_copy(idxt_hbm.at[wid], idxt_v)
        for j in range(ROWS_PT // LC):
            pltpu.make_async_copy(buf0, agg_sh.at[pl.ds(zbase + j * LC, LC)],
                                  sem0).wait()
        pltpu.make_async_copy(buf0.at[pl.ds(0, zrem)],
                              agg_sh.at[pl.ds(zbase + ROWS_PT - zrem, zrem)],
                              sem1).wait()
        plsc.subcore_barrier()

        base = wid * EPT

        def load(i, buf, sem):
            return pltpu.async_copy(ef_hbm.at[pl.ds(base + i * LC, LC)], buf, sem)

        def wait(buf, sem):
            pltpu.make_async_copy(ef_hbm.at[pl.ds(0, LC)], buf, sem).wait()

        def scatter(i, buf):
            pltpu.sync_copy(buf, agg_sh.at[idx_v.at[i]], add=True)

        load(0, buf0, sem0)

        def body(kk, carry):
            i0 = 2 * kk
            load(i0 + 1, buf1, sem1)
            wait(buf0, sem0)
            scatter(i0, buf0)
            load(i0 + 2, buf0, sem0)
            wait(buf1, sem1)
            scatter(i0 + 1, buf1)
            return carry

        lax.fori_loop(0, NL // 2 - 1, body, 0)
        wait(buf0, sem0)
        load(NL - 1, buf1, sem1)
        scatter(NL - 2, buf0)
        pltpu.sync_copy(ef_hbm.at[pl.ds(base + NL * LC, TAIL)],
                        buf0.at[pl.ds(0, TAIL)])
        wait(buf1, sem1)
        scatter(NL - 1, buf1)
        pltpu.sync_copy(buf0.at[pl.ds(0, TAIL)],
                        agg_sh.at[idxt_v.at[0]], add=True)

        plsc.subcore_barrier()
        pltpu.sync_copy(agg_sh.at[pl.ds(sid * ROWS_PT, ROWS_PT)],
                        out_hbm.at[cid, pl.ds(sid * ROWS_PT, ROWS_PT)])

    return k(recv_main, recv_tail, edge_feature)


BN = 5000


def _tc_mlp(node, parts, W1, b1, W2, b2, W3, b3, ln_g, ln_b):
    def body(node_ref, p_ref, w1_ref, b1_ref, w2_ref, b2_ref, w3_ref, b3_ref,
             g_ref, beta_ref, out_ref):
        x = node_ref[...]
        agg = p_ref[0] + p_ref[1]
        h = jnp.dot(x, w1_ref[:D, :], preferred_element_type=jnp.float32)
        h = h + jnp.dot(agg, w1_ref[D:, :], preferred_element_type=jnp.float32)
        h = jax.nn.relu(h + b1_ref[...])
        h = jax.nn.relu(
            jnp.dot(h, w2_ref[...], preferred_element_type=jnp.float32) + b2_ref[...])
        h = jnp.dot(h, w3_ref[...], preferred_element_type=jnp.float32) + b3_ref[...]
        mu = jnp.mean(h, axis=-1, keepdims=True)
        var = jnp.mean((h - mu) * (h - mu), axis=-1, keepdims=True)
        h = (h - mu) * lax.rsqrt(var + 1e-5) * g_ref[...] + beta_ref[...]
        out_ref[...] = h + x

    vec = lambda: pl.BlockSpec((1, D), lambda i: (0, 0))
    return pl.pallas_call(
        body,
        grid=(N // BN,),
        in_specs=[
            pl.BlockSpec((BN, D), lambda i: (i, 0)),
            pl.BlockSpec((NC, BN, D), lambda i: (0, i, 0)),
            pl.BlockSpec((2 * D, D), lambda i: (0, 0)),
            vec(),
            pl.BlockSpec((D, D), lambda i: (0, 0)),
            vec(),
            pl.BlockSpec((D, D), lambda i: (0, 0)),
            vec(),
            vec(),
            vec(),
        ],
        out_specs=pl.BlockSpec((BN, D), lambda i: (i, 0)),
        out_shape=jax.ShapeDtypeStruct((N, D), jnp.float32),
    )(node, parts, W1, b1.reshape(1, D), W2, b2.reshape(1, D), W3,
      b3.reshape(1, D), ln_g.reshape(1, D), ln_b.reshape(1, D))


def kernel(node_feature, edge_matrix, edge_feature, W1, b1, W2, b2, W3, b3,
           ln_g, ln_b):
    recv = edge_matrix[1].reshape(NW, EPT)
    recv_main = recv[:, :NL * LC].reshape(NW, NL, LC)
    recv_tail = recv[:, NL * LC:].reshape(NW, 1, TAIL)
    parts = _sc_segment_sum(recv_main, recv_tail, edge_feature)
    return _tc_mlp(node_feature, parts, W1, b1, W2, b2, W3, b3, ln_g, ln_b)

# --- scband reference (transcript-rebuilt; emitter-appended) ---
"""Pipeline reference for scband-node-processor-22840636080715 (READ-ONLY COPY).

The authoritative reference and input builder live on the scoring server;
editing this copy changes nothing except your own understanding.
"""

import jax, jax.numpy as jnp
import numpy as np

N = 10000
E = 320000
D_NODE = 128
D_EDGE = 128
HID = 128


def setup_inputs(seed: int = 0) -> dict:
    key = jax.random.key(seed)
    ks = jax.random.split(key, 12)
    inp = {}
    inp["node_feature"] = jax.random.normal(ks[0], (N, D_NODE), dtype=jnp.float32)
    inp["edge_matrix"] = jax.random.randint(ks[1], (2, E), 0, N, dtype=jnp.int32)
    inp["edge_feature"] = jax.random.normal(ks[2], (E, D_EDGE), dtype=jnp.float32)
    # MLP params: Linear(256->128), ReLU, Linear(128->128), ReLU, Linear(128->128), LayerNorm(128)
    in_dim = D_NODE + D_EDGE
    inp["W1"] = jax.random.normal(ks[3], (in_dim, HID), dtype=jnp.float32) * (1.0 / np.sqrt(in_dim))
    inp["b1"] = jnp.zeros((HID,), dtype=jnp.float32)
    inp["W2"] = jax.random.normal(ks[4], (HID, HID), dtype=jnp.float32) * (1.0 / np.sqrt(HID))
    inp["b2"] = jnp.zeros((HID,), dtype=jnp.float32)
    inp["W3"] = jax.random.normal(ks[5], (HID, D_NODE), dtype=jnp.float32) * (1.0 / np.sqrt(HID))
    inp["b3"] = jnp.zeros((D_NODE,), dtype=jnp.float32)
    inp["ln_g"] = jnp.ones((D_NODE,), dtype=jnp.float32)
    inp["ln_b"] = jnp.zeros((D_NODE,), dtype=jnp.float32)
    return inp


def reference(node_feature, edge_matrix, edge_feature, W1, b1, W2, b2, W3, b3, ln_g, ln_b):
    # receiver_idx = edge_matrix.T[:, 1] == edge_matrix[1]
    receiver_idx = edge_matrix[1]
    # scatter_add of edge features onto receiver nodes
    agg = jax.ops.segment_sum(edge_feature, receiver_idx, num_segments=node_feature.shape[0])
    h = jnp.concatenate([node_feature, agg], axis=-1)
    # MLP with LayerNorm
    h = jax.nn.relu(h @ W1 + b1)
    h = jax.nn.relu(h @ W2 + b2)
    h = h @ W3 + b3
    mu = jnp.mean(h, axis=-1, keepdims=True)
    var = jnp.var(h, axis=-1, keepdims=True)
    h = (h - mu) / jnp.sqrt(var + 1e-5) * ln_g + ln_b
    # residual
    out = h + node_feature
    return out

if __name__ == "__main__":
    import jax
    _d = setup_inputs()
    print(jax.jit(kernel)(*tuple(_d.values())))

</pallas_src>

<mosaic_0001>
#map = affine_map<(d0, d1) -> (0, 0, 0)>
#map1 = affine_map<(d0, d1) -> (0, 0)>
module attributes {stable_mosaic.version = 14 : i64} {
  func.func @k(%arg0: i32, %arg1: i32, %arg2: memref<32x78x128xi32, #tpu.memory_space<hbm>>, %arg3: memref<32x1x16xi32, #tpu.memory_space<hbm>>, %arg4: memref<320000x128xf32, #tpu.memory_space<hbm>>, %arg5: memref<2x10112x128xf32, #tpu.memory_space<hbm>>, %arg6: memref<78x128xi32, #tpu.memory_space<vmem>>, %arg7: memref<1x16xi32, #tpu.memory_space<vmem>>, %arg8: memref<128x128xf32, #tpu.memory_space<vmem>>, %arg9: memref<128x128xf32, #tpu.memory_space<vmem>>, %arg10: memref<10112x128xf32, #tpu.memory_space<vmem_shared>>, %arg11: memref<!tpu.dma_semaphore, #tpu.memory_space<semaphore_mem>>, %arg12: memref<!tpu.dma_semaphore, #tpu.memory_space<semaphore_mem>>) attributes {dimension_semantics = [#tpu.dimension_semantics<core_parallel>, #tpu.dimension_semantics<subcore_parallel>], iteration_bounds = array<i64: 2, 16>, scalar_prefetch = 0 : i64, scratch_operands = 7 : i64, tpu.core_type = #tpu.core_type<sc_vector_subcore>, window_params = [{transform_indices = #map}, {transform_indices = #map}, {transform_indices = #map1}, {transform_indices = #map}]} {
    %mul3A = arith.constant 2 : i32
    %mul3A_0 = arith.muli %arg1, %mul3A : i32
    %add3A = arith.addi %mul3A_0, %arg0 : i32
    %broadcast_in_dim3A = arith.constant 0.000000e+00 : f32
    %broadcast_in_dim3A_1 = vector.broadcast %broadcast_in_dim3A : f32 to vector<16xf32>
    %scan3A = arith.constant 0 : i32
    %scan3A_2 = arith.constant 0 : i32
    %scan3A_3 = arith.constant 128 : i32
    %scan3A_4 = arith.addi %scan3A_2, %scan3A_3 : i32
    %scan3A_5 = arith.constant 1 : i32
    scf.for %scan3A_123 = %scan3A_2 to %scan3A_4 step %scan3A_5  : i32 {
      %swap3A = arith.index_cast %scan3A_123 : i32 to index
      %swap3A_124 = arith.constant 0 : index
      %swap3A_125 = tpu.vector_load %arg8[%swap3A, %swap3A_124] {strides = array<i32>} : memref<128x128xf32, #tpu.memory_space<vmem>>, vector<1x16xf32>,
      %swap3A_126 = vector.shape_cast %swap3A_125 : vector<1x16xf32> to vector<16xf32>
      %swap3A_127 = vector.shape_cast %broadcast_in_dim3A_1 : vector<16xf32> to vector<1x16xf32>
      tpu.vector_store %arg8[%swap3A, %swap3A_124], %swap3A_127 {strides = array<i32>} : memref<128x128xf32, #tpu.memory_space<vmem>>, vector<1x16xf32>,
      %swap3A_128 = arith.index_cast %scan3A_123 : i32 to index
      %swap3A_129 = arith.constant 16 : index
      %swap3A_130 = tpu.vector_load %arg8[%swap3A_128, %swap3A_129] {strides = array<i32>} : memref<128x128xf32, #tpu.memory_space<vmem>>, vector<1x16xf32>,
      %swap3A_131 = vector.shape_cast %swap3A_130 : vector<1x16xf32> to vector<16xf32>
      %swap3A_132 = vector.shape_cast %broadcast_in_dim3A_1 : vector<16xf32> to vector<1x16xf32>
      tpu.vector_store %arg8[%swap3A_128, %swap3A_129], %swap3A_132 {strides = array<i32>} : memref<128x128xf32, #tpu.memory_space<vmem>>, vector<1x16xf32>,
      %swap3A_133 = arith.index_cast %scan3A_123 : i32 to index
      %swap3A_134 = arith.constant 32 : index
      %swap3A_135 = tpu.vector_load %arg8[%swap3A_133, %swap3A_134] {strides = array<i32>} : memref<128x128xf32, #tpu.memory_space<vmem>>, vector<1x16xf32>,
      %swap3A_136 = vector.shape_cast %swap3A_135 : vector<1x16xf32> to vector<16xf32>
      %swap3A_137 = vector.shape_cast %broadcast_in_dim3A_1 : vector<16xf32> to vector<1x16xf32>
      tpu.vector_store %arg8[%swap3A_133, %swap3A_134], %swap3A_137 {strides = array<i32>} : memref<128x128xf32, #tpu.memory_space<vmem>>, vector<1x16xf32>,
      %swap3A_138 = arith.index_cast %scan3A_123 : i32 to index
      %swap3A_139 = arith.constant 48 : index
      %swap3A_140 = tpu.vector_load %arg8[%swap3A_138, %swap3A_139] {strides = array<i32>} : memref<128x128xf32, #tpu.memory_space<vmem>>, vector<1x16xf32>,
      %swap3A_141 = vector.shape_cast %swap3A_140 : vector<1x16xf32> to vector<16xf32>
      %swap3A_142 = vector.shape_cast %broadcast_in_dim3A_1 : vector<16xf32> to vector<1x16xf32>
      tpu.vector_store %arg8[%swap3A_138, %swap3A_139], %swap3A_142 {strides = array<i32>} : memref<128x128xf32, #tpu.memory_space<vmem>>, vector<1x16xf32>,
      %swap3A_143 = arith.index_cast %scan3A_123 : i32 to index
      %swap3A_144 = arith.constant 64 : index
      %swap3A_145 = tpu.vector_load %arg8[%swap3A_143, %swap3A_144] {strides = array<i32>} : memref<128x128xf32, #tpu.memory_space<vmem>>, vector<1x16xf32>,
      %swap3A_146 = vector.shape_cast %swap3A_145 : vector<1x16xf32> to vector<16xf32>
      %swap3A_147 = vector.shape_cast %broadcast_in_dim3A_1 : vector<16xf32> to vector<1x16xf32>
      tpu.vector_store %arg8[%swap3A_143, %swap3A_144], %swap3A_147 {strides = array<i32>} : memref<128x128xf32, #tpu.memory_space<vmem>>, vector<1x16xf32>,
      %swap3A_148 = arith.index_cast %scan3A_123 : i32 to index
      %swap3A_149 = arith.constant 80 : index
      %swap3A_150 = tpu.vector_load %arg8[%swap3A_148, %swap3A_149] {strides = array<i32>} : memref<128x128xf32, #tpu.memory_space<vmem>>, vector<1x16xf32>,
      %swap3A_151 = vector.shape_cast %swap3A_150 : vector<1x16xf32> to vector<16xf32>
      %swap3A_152 = vector.shape_cast %broadcast_in_dim3A_1 : vector<16xf32> to vector<1x16xf32>
      tpu.vector_store %arg8[%swap3A_148, %swap3A_149], %swap3A_152 {strides = array<i32>} : memref<128x128xf32, #tpu.memory_space<vmem>>, vector<1x16xf32>,
      %swap3A_153 = arith.index_cast %scan3A_123 : i32 to index
      %swap3A_154 = arith.constant 96 : index
      %swap3A_155 = tpu.vector_load %arg8[%swap3A_153, %swap3A_154] {strides = array<i32>} : memref<128x128xf32, #tpu.memory_space<vmem>>, vector<1x16xf32>,
      %swap3A_156 = vector.shape_cast %swap3A_155 : vector<1x16xf32> to vector<16xf32>
      %swap3A_157 = vector.shape_cast %broadcast_in_dim3A_1 : vector<16xf32> to vector<1x16xf32>
      tpu.vector_store %arg8[%swap3A_153, %swap3A_154], %swap3A_157 {strides = array<i32>} : memref<128x128xf32, #tpu.memory_space<vmem>>, vector<1x16xf32>,
      %swap3A_158 = arith.index_cast %scan3A_123 : i32 to index
      %swap3A_159 = arith.constant 112 : index
      %swap3A_160 = tpu.vector_load %arg8[%swap3A_158, %swap3A_159] {strides = array<i32>} : memref<128x128xf32, #tpu.memory_space<vmem>>, vector<1x16xf32>,
      %swap3A_161 = vector.shape_cast %swap3A_160 : vector<1x16xf32> to vector<16xf32>
      %swap3A_162 = vector.shape_cast %broadcast_in_dim3A_1 : vector<16xf32> to vector<1x16xf32>
      tpu.vector_store %arg8[%swap3A_158, %swap3A_159], %swap3A_162 {strides = array<i32>} : memref<128x128xf32, #tpu.memory_space<vmem>>, vector<1x16xf32>,
    }
    %scan3A_6 = arith.constant 128 : i32
    %mul3A_7 = arith.constant 632 : i32
    %mul3A_8 = arith.muli %arg1, %mul3A_7 : i32
    %add3A_9 = arith.constant 0 : i32
    %add3A_10 = arith.addi %mul3A_8, %add3A_9 : i32
    %dma_start3A = arith.constant 0 : i32
    %dma_start3A_11 = tpu.memref_slice %arg10[%add3A_10, %dma_start3A] : memref<10112x128xf32, #tpu.memory_space<vmem_shared>> -> memref<128x128xf32, #tpu.memory_space<vmem_shared>>
    %dma_start3A_12 = arith.constant 0 : i32
    %dma_start3A_13 = tpu.memref_slice %arg10[%add3A_10, %dma_start3A_12] : memref<10112x128xf32, #tpu.memory_space<vmem_shared>> -> memref<128x128xf32, #tpu.memory_space<vmem_shared>>
    tpu.enqueue_dma source(%arg8 : memref<128x128xf32, #tpu.memory_space<vmem>>) target(%dma_start3A_13 : memref<128x128xf32, #tpu.memory_space<vmem_shared>>) target_semaphore(%arg11 : memref<!tpu.dma_semaphore, #tpu.memory_space<semaphore_mem>>)
    %add3A_14 = arith.constant 128 : i32
    %add3A_15 = arith.addi %mul3A_8, %add3A_14 : i32
    %dma_start3A_16 = arith.constant 0 : i32
    %dma_start3A_17 = tpu.memref_slice %arg10[%add3A_15, %dma_start3A_16] : memref<10112x128xf32, #tpu.memory_space<vmem_shared>> -> memref<128x128xf32, #tpu.memory_space<vmem_shared>>
    %dma_start3A_18 = arith.constant 0 : i32
    %dma_start3A_19 = tpu.memref_slice %arg10[%add3A_15, %dma_start3A_18] : memref<10112x128xf32, #tpu.memory_space<vmem_shared>> -> memref<128x128xf32, #tpu.memory_space<vmem_shared>>
    tpu.enqueue_dma source(%arg8 : memref<128x128xf32, #tpu.memory_space<vmem>>) target(%dma_start3A_19 : memref<128x128xf32, #tpu.memory_space<vmem_shared>>) target_semaphore(%arg11 : memref<!tpu.dma_semaphore, #tpu.memory_space<semaphore_mem>>)
    %add3A_20 = arith.constant 256 : i32
    %add3A_21 = arith.addi %mul3A_8, %add3A_20 : i32
    %dma_start3A_22 = arith.constant 0 : i32
    %dma_start3A_23 = tpu.memref_slice %arg10[%add3A_21, %dma_start3A_22] : memref<10112x128xf32, #tpu.memory_space<vmem_shared>> -> memref<128x128xf32, #tpu.memory_space<vmem_shared>>
    %dma_start3A_24 = arith.constant 0 : i32
    %dma_start3A_25 = tpu.memref_slice %arg10[%add3A_21, %dma_start3A_24] : memref<10112x128xf32, #tpu.memory_space<vmem_shared>> -> memref<128x128xf32, #tpu.memory_space<vmem_shared>>
    tpu.enqueue_dma source(%arg8 : memref<128x128xf32, #tpu.memory_space<vmem>>) target(%dma_start3A_25 : memref<128x128xf32, #tpu.memory_space<vmem_shared>>) target_semaphore(%arg11 : memref<!tpu.dma_semaphore, #tpu.memory_space<semaphore_mem>>)
    %add3A_26 = arith.constant 384 : i32
    %add3A_27 = arith.addi %mul3A_8, %add3A_26 : i32
    %dma_start3A_28 = arith.constant 0 : i32
    %dma_start3A_29 = tpu.memref_slice %arg10[%add3A_27, %dma_start3A_28] : memref<10112x128xf32, #tpu.memory_space<vmem_shared>> -> memref<128x128xf32, #tpu.memory_space<vmem_shared>>
    %dma_start3A_30 = arith.constant 0 : i32
    %dma_start3A_31 = tpu.memref_slice %arg10[%add3A_27, %dma_start3A_30] : memref<10112x128xf32, #tpu.memory_space<vmem_shared>> -> memref<128x128xf32, #tpu.memory_space<vmem_shared>>
    tpu.enqueue_dma source(%arg8 : memref<128x128xf32, #tpu.memory_space<vmem>>) target(%dma_start3A_31 : memref<128x128xf32, #tpu.memory_space<vmem_shared>>) target_semaphore(%arg11 : memref<!tpu.dma_semaphore, #tpu.memory_space<semaphore_mem>>)
    %add3A_32 = arith.constant 632 : i32
    %add3A_33 = arith.addi %mul3A_8, %add3A_32 : i32
    %sub3A = arith.constant 120 : i32
    %sub3A_34 = arith.subi %add3A_33, %sub3A : i32
    %dma_start3A_35 = arith.constant 0 : i32
    %dma_start3A_36 = arith.constant 0 : i32
    %dma_start3A_37 = tpu.memref_slice %arg8[%dma_start3A_35, %dma_start3A_36] : memref<128x128xf32, #tpu.memory_space<vmem>> -> memref<120x128xf32, #tpu.memory_space<vmem>>
    %dma_start3A_38 = arith.constant 0 : i32
    %dma_start3A_39 = tpu.memref_slice %arg10[%sub3A_34, %dma_start3A_38] : memref<10112x128xf32, #tpu.memory_space<vmem_shared>> -> memref<120x128xf32, #tpu.memory_space<vmem_shared>>
    %dma_start3A_40 = arith.constant 0 : i32
    %dma_start3A_41 = tpu.memref_slice %arg10[%sub3A_34, %dma_start3A_40] : memref<10112x128xf32, #tpu.memory_space<vmem_shared>> -> memref<120x128xf32, #tpu.memory_space<vmem_shared>>
    %dma_start3A_42 = arith.constant 0 : i32
    %dma_start3A_43 = arith.constant 0 : i32
    %dma_start3A_44 = tpu.memref_slice %arg8[%dma_start3A_42, %dma_start3A_43] : memref<128x128xf32, #tpu.memory_space<vmem>> -> memref<120x128xf32, #tpu.memory_space<vmem>>
    tpu.enqueue_dma source(%dma_start3A_44 : memref<120x128xf32, #tpu.memory_space<vmem>>) target(%dma_start3A_41 : memref<120x128xf32, #tpu.memory_space<vmem_shared>>) target_semaphore(%arg12 : memref<!tpu.dma_semaphore, #tpu.memory_space<semaphore_mem>>)
    "tpu.region"() ({
      %run_scoped3A_123 = tpu.sem_alloc : memref<!tpu.dma_semaphore, #tpu.memory_space<semaphore_mem>>
      %dma_start3A_124 = arith.constant 0 : i32
      %dma_start3A_125 = arith.constant 0 : i32
      %dma_start3A_126 = tpu.memref_slice %arg2[%add3A, %dma_start3A_124, %dma_start3A_125] : memref<32x78x128xi32, #tpu.memory_space<hbm>> -> memref<1x78x128xi32, #tpu.memory_space<hbm>>
      %dma_start3A_127 = tpu.memref_squeeze %dma_start3A_126 : memref<1x78x128xi32, #tpu.memory_space<hbm>> -> memref<78x128xi32, #tpu.memory_space<hbm>>
      %dma_start3A_128 = arith.constant 0 : i32
      %dma_start3A_129 = arith.constant 0 : i32
      %dma_start3A_130 = tpu.memref_slice %arg2[%add3A, %dma_start3A_128, %dma_start3A_129] : memref<32x78x128xi32, #tpu.memory_space<hbm>> -> memref<1x78x128xi32, #tpu.memory_space<hbm>>
      %dma_start3A_131 = tpu.memref_squeeze %dma_start3A_130 : memref<1x78x128xi32, #tpu.memory_space<hbm>> -> memref<78x128xi32, #tpu.memory_space<hbm>>
      tpu.enqueue_dma source(%dma_start3A_131 : memref<78x128xi32, #tpu.memory_space<hbm>>) target(%arg6 : memref<78x128xi32, #tpu.memory_space<vmem>>) target_semaphore(%run_scoped3A_123 : memref<!tpu.dma_semaphore, #tpu.memory_space<semaphore_mem>>)
      %dma_wait3A_132 = arith.constant 0 : i32
      %dma_wait3A_133 = arith.constant 0 : i32
      %dma_wait3A_134 = tpu.memref_slice %arg2[%add3A, %dma_wait3A_132, %dma_wait3A_133] : memref<32x78x128xi32, #tpu.memory_space<hbm>> -> memref<1x78x128xi32, #tpu.memory_space<hbm>>
      %dma_wait3A_135 = tpu.memref_squeeze %dma_wait3A_134 : memref<1x78x128xi32, #tpu.memory_space<hbm>> -> memref<78x128xi32, #tpu.memory_space<hbm>>
      %dma_wait3A_136 = arith.constant 0 : i32
      %dma_wait3A_137 = arith.constant 0 : i32
      %dma_wait3A_138 = tpu.memref_slice %arg2[%add3A, %dma_wait3A_136, %dma_wait3A_137] : memref<32x78x128xi32, #tpu.memory_space<hbm>> -> memref<1x78x128xi32, #tpu.memory_space<hbm>>
      %dma_wait3A_139 = tpu.memref_squeeze %dma_wait3A_138 : memref<1x78x128xi32, #tpu.memory_space<hbm>> -> memref<78x128xi32, #tpu.memory_space<hbm>>
      tpu.wait_dma2 semaphore(%run_scoped3A_123 : memref<!tpu.dma_semaphore, #tpu.memory_space<semaphore_mem>>) src(%dma_wait3A_139 : memref<78x128xi32, #tpu.memory_space<hbm>>) dst(%arg6 : memref<78x128xi32, #tpu.memory_space<vmem>>)
      tpu.yield
    }) : () -> ()
    "tpu.region"() ({
      %run_scoped3A_123 = tpu.sem_alloc : memref<!tpu.dma_semaphore, #tpu.memory_space<semaphore_mem>>
      %dma_start3A_124 = arith.constant 0 : i32
      %dma_start3A_125 = arith.constant 0 : i32
      %dma_start3A_126 = tpu.memref_slice %arg3[%add3A, %dma_start3A_124, %dma_start3A_125] : memref<32x1x16xi32, #tpu.memory_space<hbm>> -> memref<1x1x16xi32, #tpu.memory_space<hbm>>
      %dma_start3A_127 = tpu.memref_squeeze %dma_start3A_126 : memref<1x1x16xi32, #tpu.memory_space<hbm>> -> memref<1x16xi32, #tpu.memory_space<hbm>>
      %dma_start3A_128 = arith.constant 0 : i32
      %dma_start3A_129 = arith.constant 0 : i32
      %dma_start3A_130 = tpu.memref_slice %arg3[%add3A, %dma_start3A_128, %dma_start3A_129] : memref<32x1x16xi32, #tpu.memory_space<hbm>> -> memref<1x1x16xi32, #tpu.memory_space<hbm>>
      %dma_start3A_131 = tpu.memref_squeeze %dma_start3A_130 : memref<1x1x16xi32, #tpu.memory_space<hbm>> -> memref<1x16xi32, #tpu.memory_space<hbm>>
      tpu.enqueue_dma source(%dma_start3A_131 : memref<1x16xi32, #tpu.memory_space<hbm>>) target(%arg7 : memref<1x16xi32, #tpu.memory_space<vmem>>) target_semaphore(%run_scoped3A_123 : memref<!tpu.dma_semaphore, #tpu.memory_space<semaphore_mem>>)
      %dma_wait3A_132 = arith.constant 0 : i32
      %dma_wait3A_133 = arith.constant 0 : i32
      %dma_wait3A_134 = tpu.memref_slice %arg3[%add3A, %dma_wait3A_132, %dma_wait3A_133] : memref<32x1x16xi32, #tpu.memory_space<hbm>> -> memref<1x1x16xi32, #tpu.memory_space<hbm>>
      %dma_wait3A_135 = tpu.memref_squeeze %dma_wait3A_134 : memref<1x1x16xi32, #tpu.memory_space<hbm>> -> memref<1x16xi32, #tpu.memory_space<hbm>>
      %dma_wait3A_136 = arith.constant 0 : i32
      %dma_wait3A_137 = arith.constant 0 : i32
      %dma_wait3A_138 = tpu.memref_slice %arg3[%add3A, %dma_wait3A_136, %dma_wait3A_137] : memref<32x1x16xi32, #tpu.memory_space<hbm>> -> memref<1x1x16xi32, #tpu.memory_space<hbm>>
      %dma_wait3A_139 = tpu.memref_squeeze %dma_wait3A_138 : memref<1x1x16xi32, #tpu.memory_space<hbm>> -> memref<1x16xi32, #tpu.memory_space<hbm>>
      tpu.wait_dma2 semaphore(%run_scoped3A_123 : memref<!tpu.dma_semaphore, #tpu.memory_space<semaphore_mem>>) src(%dma_wait3A_139 : memref<1x16xi32, #tpu.memory_space<hbm>>) dst(%arg7 : memref<1x16xi32, #tpu.memory_space<vmem>>)
      tpu.yield
    }) : () -> ()
    %add3A_45 = arith.constant 0 : i32
    %add3A_46 = arith.addi %mul3A_8, %add3A_45 : i32
    %dma_wait3A = arith.constant 0 : i32
    %dma_wait3A_47 = tpu.memref_slice %arg10[%add3A_46, %dma_wait3A] : memref<10112x128xf32, #tpu.memory_space<vmem_shared>> -> memref<128x128xf32, #tpu.memory_space<vmem_shared>>
    %dma_wait3A_48 = arith.constant 0 : i32
    %dma_wait3A_49 = tpu.memref_slice %arg10[%add3A_46, %dma_wait3A_48] : memref<10112x128xf32, #tpu.memory_space<vmem_shared>> -> memref<128x128xf32, #tpu.memory_space<vmem_shared>>
    tpu.wait_dma2 semaphore(%arg11 : memref<!tpu.dma_semaphore, #tpu.memory_space<semaphore_mem>>) src(%arg8 : memref<128x128xf32, #tpu.memory_space<vmem>>) dst(%dma_wait3A_49 : memref<128x128xf32, #tpu.memory_space<vmem_shared>>)
    %add3A_50 = arith.constant 128 : i32
    %add3A_51 = arith.addi %mul3A_8, %add3A_50 : i32
    %dma_wait3A_52 = arith.constant 0 : i32
    %dma_wait3A_53 = tpu.memref_slice %arg10[%add3A_51, %dma_wait3A_52] : memref<10112x128xf32, #tpu.memory_space<vmem_shared>> -> memref<128x128xf32, #tpu.memory_space<vmem_shared>>
    %dma_wait3A_54 = arith.constant 0 : i32
    %dma_wait3A_55 = tpu.memref_slice %arg10[%add3A_51, %dma_wait3A_54] : memref<10112x128xf32, #tpu.memory_space<vmem_shared>> -> memref<128x128xf32, #tpu.memory_space<vmem_shared>>
    tpu.wait_dma2 semaphore(%arg11 : memref<!tpu.dma_semaphore, #tpu.memory_space<semaphore_mem>>) src(%arg8 : memref<128x128xf32, #tpu.memory_space<vmem>>) dst(%dma_wait3A_55 : memref<128x128xf32, #tpu.memory_space<vmem_shared>>)
    %add3A_56 = arith.constant 256 : i32
    %add3A_57 = arith.addi %mul3A_8, %add3A_56 : i32
    %dma_wait3A_58 = arith.constant 0 : i32
    %dma_wait3A_59 = tpu.memref_slice %arg10[%add3A_57, %dma_wait3A_58] : memref<10112x128xf32, #tpu.memory_space<vmem_shared>> -> memref<128x128xf32, #tpu.memory_space<vmem_shared>>
    %dma_wait3A_60 = arith.constant 0 : i32
    %dma_wait3A_61 = tpu.memref_slice %arg10[%add3A_57, %dma_wait3A_60] : memref<10112x128xf32, #tpu.memory_space<vmem_shared>> -> memref<128x128xf32, #tpu.memory_space<vmem_shared>>
    tpu.wait_dma2 semaphore(%arg11 : memref<!tpu.dma_semaphore, #tpu.memory_space<semaphore_mem>>) src(%arg8 : memref<128x128xf32, #tpu.memory_space<vmem>>) dst(%dma_wait3A_61 : memref<128x128xf32, #tpu.memory_space<vmem_shared>>)
    %add3A_62 = arith.constant 384 : i32
    %add3A_63 = arith.addi %mul3A_8, %add3A_62 : i32
    %dma_wait3A_64 = arith.constant 0 : i32
    %dma_wait3A_65 = tpu.memref_slice %arg10[%add3A_63, %dma_wait3A_64] : memref<10112x128xf32, #tpu.memory_space<vmem_shared>> -> memref<128x128xf32, #tpu.memory_space<vmem_shared>>
    %dma_wait3A_66 = arith.constant 0 : i32
    %dma_wait3A_67 = tpu.memref_slice %arg10[%add3A_63, %dma_wait3A_66] : memref<10112x128xf32, #tpu.memory_space<vmem_shared>> -> memref<128x128xf32, #tpu.memory_space<vmem_shared>>
    tpu.wait_dma2 semaphore(%arg11 : memref<!tpu.dma_semaphore, #tpu.memory_space<semaphore_mem>>) src(%arg8 : memref<128x128xf32, #tpu.memory_space<vmem>>) dst(%dma_wait3A_67 : memref<128x128xf32, #tpu.memory_space<vmem_shared>>)
    %add3A_68 = arith.constant 632 : i32
    %add3A_69 = arith.addi %mul3A_8, %add3A_68 : i32
    %sub3A_70 = arith.constant 120 : i32
    %sub3A_71 = arith.subi %add3A_69, %sub3A_70 : i32
    %dma_wait3A_72 = arith.constant 0 : i32
    %dma_wait3A_73 = arith.constant 0 : i32
    %dma_wait3A_74 = tpu.memref_slice %arg8[%dma_wait3A_72, %dma_wait3A_73] : memref<128x128xf32, #tpu.memory_space<vmem>> -> memref<120x128xf32, #tpu.memory_space<vmem>>
    %dma_wait3A_75 = arith.constant 0 : i32
    %dma_wait3A_76 = tpu.memref_slice %arg10[%sub3A_71, %dma_wait3A_75] : memref<10112x128xf32, #tpu.memory_space<vmem_shared>> -> memref<120x128xf32, #tpu.memory_space<vmem_shared>>
    %dma_wait3A_77 = arith.constant 0 : i32
    %dma_wait3A_78 = tpu.memref_slice %arg10[%sub3A_71, %dma_wait3A_77] : memref<10112x128xf32, #tpu.memory_space<vmem_shared>> -> memref<120x128xf32, #tpu.memory_space<vmem_shared>>
    %dma_wait3A_79 = arith.constant 0 : i32
    %dma_wait3A_80 = arith.constant 0 : i32
    %dma_wait3A_81 = tpu.memref_slice %arg8[%dma_wait3A_79, %dma_wait3A_80] : memref<128x128xf32, #tpu.memory_space<vmem>> -> memref<120x128xf32, #tpu.memory_space<vmem>>
    tpu.wait_dma2 semaphore(%arg12 : memref<!tpu.dma_semaphore, #tpu.memory_space<semaphore_mem>>) src(%dma_wait3A_81 : memref<120x128xf32, #tpu.memory_space<vmem>>) dst(%dma_wait3A_78 : memref<120x128xf32, #tpu.memory_space<vmem_shared>>)
    %barrier3A = arith.constant 0 : index
    tpu.barrier barrier_id(%barrier3A)
    %mul3A_82 = arith.constant 10000 : i32
    %mul3A_83 = arith.muli %add3A, %mul3A_82 : i32
    %add3A_84 = arith.constant 0 : i32
    %add3A_85 = arith.addi %mul3A_83, %add3A_84 : i32
    %dma_start3A_86 = arith.constant 0 : i32
    %dma_start3A_87 = tpu.memref_slice %arg4[%add3A_85, %dma_start3A_86] : memref<320000x128xf32, #tpu.memory_space<hbm>> -> memref<128x128xf32, #tpu.memory_space<hbm>>
    %dma_start3A_88 = arith.constant 0 : i32
    %dma_start3A_89 = tpu.memref_slice %arg4[%add3A_85, %dma_start3A_88] : memref<320000x128xf32, #tpu.memory_space<hbm>> -> memref<128x128xf32, #tpu.memory_space<hbm>>
    tpu.enqueue_dma source(%dma_start3A_89 : memref<128x128xf32, #tpu.memory_space<hbm>>) target(%arg8 : memref<128x128xf32, #tpu.memory_space<vmem>>) target_semaphore(%arg11 : memref<!tpu.dma_semaphore, #tpu.memory_space<semaphore_mem>>)
    %scan3A_90 = arith.constant 0 : i32
    %scan3A_91 = arith.constant 0 : i32
    %scan3A_92 = arith.constant 38 : i32
    %scan3A_93 = arith.addi %scan3A_91, %scan3A_92 : i32
    %scan3A_94 = arith.constant 1 : i32
    scf.for %scan3A_123 = %scan3A_91 to %scan3A_93 step %scan3A_94  : i32 {
      %mul3A_124 = arith.constant 2 : i32
      %mul3A_125 = arith.muli %mul3A_124, %scan3A_123 : i32
      %add3A_126 = arith.constant 1 : i32
      %add3A_127 = arith.addi %mul3A_125, %add3A_126 : i32
      %mul3A_128 = arith.constant 128 : i32
      %mul3A_129 = arith.muli %add3A_127, %mul3A_128 : i32
      %add3A_130 = arith.addi %mul3A_83, %mul3A_129 : i32
      %dma_start3A_131 = arith.constant 0 : i32
      %dma_start3A_132 = tpu.memref_slice %arg4[%add3A_130, %dma_start3A_131] : memref<320000x128xf32, #tpu.memory_space<hbm>> -> memref<128x128xf32, #tpu.memory_space<hbm>>
      %dma_start3A_133 = arith.constant 0 : i32
      %dma_start3A_134 = tpu.memref_slice %arg4[%add3A_130, %dma_start3A_133] : memref<320000x128xf32, #tpu.memory_space<hbm>> -> memref<128x128xf32, #tpu.memory_space<hbm>>
      tpu.enqueue_dma source(%dma_start3A_134 : memref<128x128xf32, #tpu.memory_space<hbm>>) target(%arg9 : memref<128x128xf32, #tpu.memory_space<vmem>>) target_semaphore(%arg12 : memref<!tpu.dma_semaphore, #tpu.memory_space<semaphore_mem>>)
      %dma_wait3A_135 = arith.constant 0 : i32
      %dma_wait3A_136 = arith.constant 0 : i32
      %dma_wait3A_137 = tpu.memref_slice %arg4[%dma_wait3A_135, %dma_wait3A_136] : memref<320000x128xf32, #tpu.memory_space<hbm>> -> memref<128x128xf32, #tpu.memory_space<hbm>>
      %dma_wait3A_138 = arith.constant 0 : i32
      %dma_wait3A_139 = arith.constant 0 : i32
      %dma_wait3A_140 = tpu.memref_slice %arg4[%dma_wait3A_138, %dma_wait3A_139] : memref<320000x128xf32, #tpu.memory_space<hbm>> -> memref<128x128xf32, #tpu.memory_space<hbm>>
      tpu.wait_dma2 semaphore(%arg11 : memref<!tpu.dma_semaphore, #tpu.memory_space<semaphore_mem>>) src(%dma_wait3A_140 : memref<128x128xf32, #tpu.memory_space<hbm>>) dst(%arg8 : memref<128x128xf32, #tpu.memory_space<vmem>>)
      "tpu.region"() ({
        %run_scoped3A_158 = tpu.sem_alloc : memref<!tpu.dma_semaphore, #tpu.memory_space<semaphore_mem>>
        %dma_start3A_159 = arith.constant 0 : i32
        %dma_start3A_160 = tpu.memref_slice %arg6[%mul3A_125, %dma_start3A_159] : memref<78x128xi32, #tpu.memory_space<vmem>> -> memref<1x128xi32, #tpu.memory_space<vmem>>
        %dma_start3A_161 = tpu.memref_squeeze %dma_start3A_160 : memref<1x128xi32, #tpu.memory_space<vmem>> -> memref<128xi32, #tpu.memory_space<vmem>>
        %dma_start3A_162 = arith.constant 0 : i32
        %dma_start3A_163 = arith.constant 0 : i32
        %dma_start3A_164 = tpu.memref_slice %arg10[%dma_start3A_162, %dma_start3A_163] : memref<10112x128xf32, #tpu.memory_space<vmem_shared>> -> memref<10112x128xf32, #tpu.memory_space<vmem_shared>>
        tpu.enqueue_indirect_dma source(%arg8 : memref<128x128xf32, #tpu.memory_space<vmem>>) target(%dma_start3A_164 : memref<10112x128xf32, #tpu.memory_space<vmem_shared>>) offsets(%dma_start3A_161 : memref<128xi32, #tpu.memory_space<vmem>>) semaphore(%run_scoped3A_158 : memref<!tpu.dma_semaphore, #tpu.memory_space<semaphore_mem>>) {add = true}
        %dma_wait3A_165 = arith.constant 0 : i32
        %dma_wait3A_166 = tpu.memref_slice %arg6[%mul3A_125, %dma_wait3A_165] : memref<78x128xi32, #tpu.memory_space<vmem>> -> memref<1x128xi32, #tpu.memory_space<vmem>>
        %dma_wait3A_167 = tpu.memref_squeeze %dma_wait3A_166 : memref<1x128xi32, #tpu.memory_space<vmem>> -> memref<128xi32, #tpu.memory_space<vmem>>
        %dma_wait3A_168 = arith.constant 0 : i32
        %dma_wait3A_169 = arith.constant 0 : i32
        %dma_wait3A_170 = tpu.memref_slice %arg10[%dma_wait3A_168, %dma_wait3A_169] : memref<10112x128xf32, #tpu.memory_space<vmem_shared>> -> memref<10112x128xf32, #tpu.memory_space<vmem_shared>>
        tpu.wait_indirect_dma semaphore(%run_scoped3A_158 : memref<!tpu.dma_semaphore, #tpu.memory_space<semaphore_mem>>) src(%arg8 : memref<128x128xf32, #tpu.memory_space<vmem>>) dst(%dma_wait3A_170 : memref<10112x128xf32, #tpu.memory_space<vmem_shared>>)
        tpu.yield
      }) : () -> ()
      %add3A_141 = arith.constant 2 : i32
      %add3A_142 = arith.addi %mul3A_125, %add3A_141 : i32
      %mul3A_143 = arith.constant 128 : i32
      %mul3A_144 = arith.muli %add3A_142, %mul3A_143 : i32
      %add3A_145 = arith.addi %mul3A_83, %mul3A_144 : i32
      %dma_start3A_146 = arith.constant 0 : i32
      %dma_start3A_147 = tpu.memref_slice %arg4[%add3A_145, %dma_start3A_146] : memref<320000x128xf32, #tpu.memory_space<hbm>> -> memref<128x128xf32, #tpu.memory_space<hbm>>
      %dma_start3A_148 = arith.constant 0 : i32
      %dma_start3A_149 = tpu.memref_slice %arg4[%add3A_145, %dma_start3A_148] : memref<320000x128xf32, #tpu.memory_space<hbm>> -> memref<128x128xf32, #tpu.memory_space<hbm>>
      tpu.enqueue_dma source(%dma_start3A_149 : memref<128x128xf32, #tpu.memory_space<hbm>>) target(%arg8 : memref<128x128xf32, #tpu.memory_space<vmem>>) target_semaphore(%arg11 : memref<!tpu.dma_semaphore, #tpu.memory_space<semaphore_mem>>)
      %dma_wait3A_150 = arith.constant 0 : i32
      %dma_wait3A_151 = arith.constant 0 : i32
      %dma_wait3A_152 = tpu.memref_slice %arg4[%dma_wait3A_150, %dma_wait3A_151] : memref<320000x128xf32, #tpu.memory_space<hbm>> -> memref<128x128xf32, #tpu.memory_space<hbm>>
      %dma_wait3A_153 = arith.constant 0 : i32
      %dma_wait3A_154 = arith.constant 0 : i32
      %dma_wait3A_155 = tpu.memref_slice %arg4[%dma_wait3A_153, %dma_wait3A_154] : memref<320000x128xf32, #tpu.memory_space<hbm>> -> memref<128x128xf32, #tpu.memory_space<hbm>>
      tpu.wait_dma2 semaphore(%arg12 : memref<!tpu.dma_semaphore, #tpu.memory_space<semaphore_mem>>) src(%dma_wait3A_155 : memref<128x128xf32, #tpu.memory_space<hbm>>) dst(%arg9 : memref<128x128xf32, #tpu.memory_space<vmem>>)
      %add3A_156 = arith.constant 1 : i32
      %add3A_157 = arith.addi %mul3A_125, %add3A_156 : i32
      "tpu.region"() ({
        %run_scoped3A_158 = tpu.sem_alloc : memref<!tpu.dma_semaphore, #tpu.memory_space<semaphore_mem>>
        %dma_start3A_159 = arith.constant 0 : i32
        %dma_start3A_160 = tpu.memref_slice %arg6[%add3A_157, %dma_start3A_159] : memref<78x128xi32, #tpu.memory_space<vmem>> -> memref<1x128xi32, #tpu.memory_space<vmem>>
        %dma_start3A_161 = tpu.memref_squeeze %dma_start3A_160 : memref<1x128xi32, #tpu.memory_space<vmem>> -> memref<128xi32, #tpu.memory_space<vmem>>
        %dma_start3A_162 = arith.constant 0 : i32
        %dma_start3A_163 = arith.constant 0 : i32
        %dma_start3A_164 = tpu.memref_slice %arg10[%dma_start3A_162, %dma_start3A_163] : memref<10112x128xf32, #tpu.memory_space<vmem_shared>> -> memref<10112x128xf32, #tpu.memory_space<vmem_shared>>
        tpu.enqueue_indirect_dma source(%arg9 : memref<128x128xf32, #tpu.memory_space<vmem>>) target(%dma_start3A_164 : memref<10112x128xf32, #tpu.memory_space<vmem_shared>>) offsets(%dma_start3A_161 : memref<128xi32, #tpu.memory_space<vmem>>) semaphore(%run_scoped3A_158 : memref<!tpu.dma_semaphore, #tpu.memory_space<semaphore_mem>>) {add = true}
        %dma_wait3A_165 = arith.constant 0 : i32
        %dma_wait3A_166 = tpu.memref_slice %arg6[%add3A_157, %dma_wait3A_165] : memref<78x128xi32, #tpu.memory_space<vmem>> -> memref<1x128xi32, #tpu.memory_space<vmem>>
        %dma_wait3A_167 = tpu.memref_squeeze %dma_wait3A_166 : memref<1x128xi32, #tpu.memory_space<vmem>> -> memref<128xi32, #tpu.memory_space<vmem>>
        %dma_wait3A_168 = arith.constant 0 : i32
        %dma_wait3A_169 = arith.constant 0 : i32
        %dma_wait3A_170 = tpu.memref_slice %arg10[%dma_wait3A_168, %dma_wait3A_169] : memref<10112x128xf32, #tpu.memory_space<vmem_shared>> -> memref<10112x128xf32, #tpu.memory_space<vmem_shared>>
        tpu.wait_indirect_dma semaphore(%run_scoped3A_158 : memref<!tpu.dma_semaphore, #tpu.memory_space<semaphore_mem>>) src(%arg9 : memref<128x128xf32, #tpu.memory_space<vmem>>) dst(%dma_wait3A_170 : memref<10112x128xf32, #tpu.memory_space<vmem_shared>>)
        tpu.yield
      }) : () -> ()
    }
    %scan3A_95 = arith.constant 38 : i32
    %dma_wait3A_96 = arith.constant 0 : i32
    %dma_wait3A_97 = arith.constant 0 : i32
    %dma_wait3A_98 = tpu.memref_slice %arg4[%dma_wait3A_96, %dma_wait3A_97] : memref<320000x128xf32, #tpu.memory_space<hbm>> -> memref<128x128xf32, #tpu.memory_space<hbm>>
    %dma_wait3A_99 = arith.constant 0 : i32
    %dma_wait3A_100 = arith.constant 0 : i32
    %dma_wait3A_101 = tpu.memref_slice %arg4[%dma_wait3A_99, %dma_wait3A_100] : memref<320000x128xf32, #tpu.memory_space<hbm>> -> memref<128x128xf32, #tpu.memory_space<hbm>>
    tpu.wait_dma2 semaphore(%arg11 : memref<!tpu.dma_semaphore, #tpu.memory_space<semaphore_mem>>) src(%dma_wait3A_101 : memref<128x128xf32, #tpu.memory_space<hbm>>) dst(%arg8 : memref<128x128xf32, #tpu.memory_space<vmem>>)
    %add3A_102 = arith.constant 9856 : i32
    %add3A_103 = arith.addi %mul3A_83, %add3A_102 : i32
    %dma_start3A_104 = arith.constant 0 : i32
    %dma_start3A_105 = tpu.memref_slice %arg4[%add3A_103, %dma_start3A_104] : memref<320000x128xf32, #tpu.memory_space<hbm>> -> memref<128x128xf32, #tpu.memory_space<hbm>>
    %dma_start3A_106 = arith.constant 0 : i32
    %dma_start3A_107 = tpu.memref_slice %arg4[%add3A_103, %dma_start3A_106] : memref<320000x128xf32, #tpu.memory_space<hbm>> -> memref<128x128xf32, #tpu.memory_space<hbm>>
    tpu.enqueue_dma source(%dma_start3A_107 : memref<128x128xf32, #tpu.memory_space<hbm>>) target(%arg9 : memref<128x128xf32, #tpu.memory_space<vmem>>) target_semaphore(%arg12 : memref<!tpu.dma_semaphore, #tpu.memory_space<semaphore_mem>>)
    %run_scoped3A = arith.constant 76 : i32
    "tpu.region"() ({
      %run_scoped3A_123 = tpu.sem_alloc : memref<!tpu.dma_semaphore, #tpu.memory_space<semaphore_mem>>
      %dma_start3A_124 = arith.constant 0 : i32
      %dma_start3A_125 = tpu.memref_slice %arg6[%run_scoped3A, %dma_start3A_124] : memref<78x128xi32, #tpu.memory_space<vmem>> -> memref<1x128xi32, #tpu.memory_space<vmem>>
      %dma_start3A_126 = tpu.memref_squeeze %dma_start3A_125 : memref<1x128xi32, #tpu.memory_space<vmem>> -> memref<128xi32, #tpu.memory_space<vmem>>
      %dma_start3A_127 = arith.constant 0 : i32
      %dma_start3A_128 = arith.constant 0 : i32
      %dma_start3A_129 = tpu.memref_slice %arg10[%dma_start3A_127, %dma_start3A_128] : memref<10112x128xf32, #tpu.memory_space<vmem_shared>> -> memref<10112x128xf32, #tpu.memory_space<vmem_shared>>
      tpu.enqueue_indirect_dma source(%arg8 : memref<128x128xf32, #tpu.memory_space<vmem>>) target(%dma_start3A_129 : memref<10112x128xf32, #tpu.memory_space<vmem_shared>>) offsets(%dma_start3A_126 : memref<128xi32, #tpu.memory_space<vmem>>) semaphore(%run_scoped3A_123 : memref<!tpu.dma_semaphore, #tpu.memory_space<semaphore_mem>>) {add = true}
      %dma_wait3A_130 = arith.constant 0 : i32
      %dma_wait3A_131 = tpu.memref_slice %arg6[%run_scoped3A, %dma_wait3A_130] : memref<78x128xi32, #tpu.memory_space<vmem>> -> memref<1x128xi32, #tpu.memory_space<vmem>>
      %dma_wait3A_132 = tpu.memref_squeeze %dma_wait3A_131 : memref<1x128xi32, #tpu.memory_space<vmem>> -> memref<128xi32, #tpu.memory_space<vmem>>
      %dma_wait3A_133 = arith.constant 0 : i32
      %dma_wait3A_134 = arith.constant 0 : i32
      %dma_wait3A_135 = tpu.memref_slice %arg10[%dma_wait3A_133, %dma_wait3A_134] : memref<10112x128xf32, #tpu.memory_space<vmem_shared>> -> memref<10112x128xf32, #tpu.memory_space<vmem_shared>>
      tpu.wait_indirect_dma semaphore(%run_scoped3A_123 : memref<!tpu.dma_semaphore, #tpu.memory_space<semaphore_mem>>) src(%arg8 : memref<128x128xf32, #tpu.memory_space<vmem>>) dst(%dma_wait3A_135 : memref<10112x128xf32, #tpu.memory_space<vmem_shared>>)
      tpu.yield
    }) : () -> ()
    %add3A_108 = arith.constant 9984 : i32
    %add3A_109 = arith.addi %mul3A_83, %add3A_108 : i32
    "tpu.region"() ({
      %run_scoped3A_123 = tpu.sem_alloc : memref<!tpu.dma_semaphore, #tpu.memory_space<semaphore_mem>>
      %dma_start3A_124 = arith.constant 0 : i32
      %dma_start3A_125 = arith.constant 0 : i32
      %dma_start3A_126 = tpu.memref_slice %arg8[%dma_start3A_124, %dma_start3A_125] : memref<128x128xf32, #tpu.memory_space<vmem>> -> memref<16x128xf32, #tpu.memory_space<vmem>>
      %dma_start3A_127 = arith.constant 0 : i32
      %dma_start3A_128 = tpu.memref_slice %arg4[%add3A_109, %dma_start3A_127] : memref<320000x128xf32, #tpu.memory_space<hbm>> -> memref<16x128xf32, #tpu.memory_space<hbm>>
      %dma_start3A_129 = arith.constant 0 : i32
      %dma_start3A_130 = arith.constant 0 : i32
      %dma_start3A_131 = tpu.memref_slice %arg8[%dma_start3A_129, %dma_start3A_130] : memref<128x128xf32, #tpu.memory_space<vmem>> -> memref<16x128xf32, #tpu.memory_space<vmem>>
      %dma_start3A_132 = arith.constant 0 : i32
      %dma_start3A_133 = tpu.memref_slice %arg4[%add3A_109, %dma_start3A_132] : memref<320000x128xf32, #tpu.memory_space<hbm>> -> memref<16x128xf32, #tpu.memory_space<hbm>>
      tpu.enqueue_dma source(%dma_start3A_133 : memref<16x128xf32, #tpu.memory_space<hbm>>) target(%dma_start3A_131 : memref<16x128xf32, #tpu.memory_space<vmem>>) target_semaphore(%run_scoped3A_123 : memref<!tpu.dma_semaphore, #tpu.memory_space<semaphore_mem>>)
      %dma_wait3A_134 = arith.constant 0 : i32
      %dma_wait3A_135 = arith.constant 0 : i32
      %dma_wait3A_136 = tpu.memref_slice %arg8[%dma_wait3A_134, %dma_wait3A_135] : memref<128x128xf32, #tpu.memory_space<vmem>> -> memref<16x128xf32, #tpu.memory_space<vmem>>
      %dma_wait3A_137 = arith.constant 0 : i32
      %dma_wait3A_138 = tpu.memref_slice %arg4[%add3A_109, %dma_wait3A_137] : memref<320000x128xf32, #tpu.memory_space<hbm>> -> memref<16x128xf32, #tpu.memory_space<hbm>>
      %dma_wait3A_139 = arith.constant 0 : i32
      %dma_wait3A_140 = arith.constant 0 : i32
      %dma_wait3A_141 = tpu.memref_slice %arg8[%dma_wait3A_139, %dma_wait3A_140] : memref<128x128xf32, #tpu.memory_space<vmem>> -> memref<16x128xf32, #tpu.memory_space<vmem>>
      %dma_wait3A_142 = arith.constant 0 : i32
      %dma_wait3A_143 = tpu.memref_slice %arg4[%add3A_109, %dma_wait3A_142] : memref<320000x128xf32, #tpu.memory_space<hbm>> -> memref<16x128xf32, #tpu.memory_space<hbm>>
      tpu.wait_dma2 semaphore(%run_scoped3A_123 : memref<!tpu.dma_semaphore, #tpu.memory_space<semaphore_mem>>) src(%dma_wait3A_143 : memref<16x128xf32, #tpu.memory_space<hbm>>) dst(%dma_wait3A_141 : memref<16x128xf32, #tpu.memory_space<vmem>>)
      tpu.yield
    }) : () -> ()
    %dma_wait3A_110 = arith.constant 0 : i32
    %dma_wait3A_111 = arith.constant 0 : i32
    %dma_wait3A_112 = tpu.memref_slice %arg4[%dma_wait3A_110, %dma_wait3A_111] : memref<320000x128xf32, #tpu.memory_space<hbm>> -> memref<128x128xf32, #tpu.memory_space<hbm>>
    %dma_wait3A_113 = arith.constant 0 : i32
    %dma_wait3A_114 = arith.constant 0 : i32
    %dma_wait3A_115 = tpu.memref_slice %arg4[%dma_wait3A_113, %dma_wait3A_114] : memref<320000x128xf32, #tpu.memory_space<hbm>> -> memref<128x128xf32, #tpu.memory_space<hbm>>
    tpu.wait_dma2 semaphore(%arg12 : memref<!tpu.dma_semaphore, #tpu.memory_space<semaphore_mem>>) src(%dma_wait3A_115 : memref<128x128xf32, #tpu.memory_space<hbm>>) dst(%arg9 : memref<128x128xf32, #tpu.memory_space<vmem>>)
    %run_scoped3A_116 = arith.constant 77 : i32
    "tpu.region"() ({
      %run_scoped3A_123 = tpu.sem_alloc : memref<!tpu.dma_semaphore, #tpu.memory_space<semaphore_mem>>
      %dma_start3A_124 = arith.constant 0 : i32
      %dma_start3A_125 = tpu.memref_slice %arg6[%run_scoped3A_116, %dma_start3A_124] : memref<78x128xi32, #tpu.memory_space<vmem>> -> memref<1x128xi32, #tpu.memory_space<vmem>>
      %dma_start3A_126 = tpu.memref_squeeze %dma_start3A_125 : memref<1x128xi32, #tpu.memory_space<vmem>> -> memref<128xi32, #tpu.memory_space<vmem>>
      %dma_start3A_127 = arith.constant 0 : i32
      %dma_start3A_128 = arith.constant 0 : i32
      %dma_start3A_129 = tpu.memref_slice %arg10[%dma_start3A_127, %dma_start3A_128] : memref<10112x128xf32, #tpu.memory_space<vmem_shared>> -> memref<10112x128xf32, #tpu.memory_space<vmem_shared>>
      tpu.enqueue_indirect_dma source(%arg9 : memref<128x128xf32, #tpu.memory_space<vmem>>) target(%dma_start3A_129 : memref<10112x128xf32, #tpu.memory_space<vmem_shared>>) offsets(%dma_start3A_126 : memref<128xi32, #tpu.memory_space<vmem>>) semaphore(%run_scoped3A_123 : memref<!tpu.dma_semaphore, #tpu.memory_space<semaphore_mem>>) {add = true}
      %dma_wait3A_130 = arith.constant 0 : i32
      %dma_wait3A_131 = tpu.memref_slice %arg6[%run_scoped3A_116, %dma_wait3A_130] : memref<78x128xi32, #tpu.memory_space<vmem>> -> memref<1x128xi32, #tpu.memory_space<vmem>>
      %dma_wait3A_132 = tpu.memref_squeeze %dma_wait3A_131 : memref<1x128xi32, #tpu.memory_space<vmem>> -> memref<128xi32, #tpu.memory_space<vmem>>
      %dma_wait3A_133 = arith.constant 0 : i32
      %dma_wait3A_134 = arith.constant 0 : i32
      %dma_wait3A_135 = tpu.memref_slice %arg10[%dma_wait3A_133, %dma_wait3A_134] : memref<10112x128xf32, #tpu.memory_space<vmem_shared>> -> memref<10112x128xf32, #tpu.memory_space<vmem_shared>>
      tpu.wait_indirect_dma semaphore(%run_scoped3A_123 : memref<!tpu.dma_semaphore, #tpu.memory_space<semaphore_mem>>) src(%arg9 : memref<128x128xf32, #tpu.memory_space<vmem>>) dst(%dma_wait3A_135 : memref<10112x128xf32, #tpu.memory_space<vmem_shared>>)
      tpu.yield
    }) : () -> ()
    %run_scoped3A_117 = arith.constant 0 : i32
    "tpu.region"() ({
      %run_scoped3A_123 = tpu.sem_alloc : memref<!tpu.dma_semaphore, #tpu.memory_space<semaphore_mem>>
      %dma_start3A_124 = arith.constant 0 : i32
      %dma_start3A_125 = arith.constant 0 : i32
      %dma_start3A_126 = tpu.memref_slice %arg8[%dma_start3A_124, %dma_start3A_125] : memref<128x128xf32, #tpu.memory_space<vmem>> -> memref<16x128xf32, #tpu.memory_space<vmem>>
      %dma_start3A_127 = arith.constant 0 : i32
      %dma_start3A_128 = tpu.memref_slice %arg7[%run_scoped3A_117, %dma_start3A_127] : memref<1x16xi32, #tpu.memory_space<vmem>> -> memref<1x16xi32, #tpu.memory_space<vmem>>
      %dma_start3A_129 = tpu.memref_squeeze %dma_start3A_128 : memref<1x16xi32, #tpu.memory_space<vmem>> -> memref<16xi32, #tpu.memory_space<vmem>>
      %dma_start3A_130 = arith.constant 0 : i32
      %dma_start3A_131 = arith.constant 0 : i32
      %dma_start3A_132 = tpu.memref_slice %arg10[%dma_start3A_130, %dma_start3A_131] : memref<10112x128xf32, #tpu.memory_space<vmem_shared>> -> memref<10112x128xf32, #tpu.memory_space<vmem_shared>>
      tpu.enqueue_indirect_dma source(%dma_start3A_126 : memref<16x128xf32, #tpu.memory_space<vmem>>) target(%dma_start3A_132 : memref<10112x128xf32, #tpu.memory_space<vmem_shared>>) offsets(%dma_start3A_129 : memref<16xi32, #tpu.memory_space<vmem>>) semaphore(%run_scoped3A_123 : memref<!tpu.dma_semaphore, #tpu.memory_space<semaphore_mem>>) {add = true}
      %dma_wait3A_133 = arith.constant 0 : i32
      %dma_wait3A_134 = arith.constant 0 : i32
      %dma_wait3A_135 = tpu.memref_slice %arg8[%dma_wait3A_133, %dma_wait3A_134] : memref<128x128xf32, #tpu.memory_space<vmem>> -> memref<16x128xf32, #tpu.memory_space<vmem>>
      %dma_wait3A_136 = arith.constant 0 : i32
      %dma_wait3A_137 = tpu.memref_slice %arg7[%run_scoped3A_117, %dma_wait3A_136] : memref<1x16xi32, #tpu.memory_space<vmem>> -> memref<1x16xi32, #tpu.memory_space<vmem>>
      %dma_wait3A_138 = tpu.memref_squeeze %dma_wait3A_137 : memref<1x16xi32, #tpu.memory_space<vmem>> -> memref<16xi32, #tpu.memory_space<vmem>>
      %dma_wait3A_139 = arith.constant 0 : i32
      %dma_wait3A_140 = arith.constant 0 : i32
      %dma_wait3A_141 = tpu.memref_slice %arg10[%dma_wait3A_139, %dma_wait3A_140] : memref<10112x128xf32, #tpu.memory_space<vmem_shared>> -> memref<10112x128xf32, #tpu.memory_space<vmem_shared>>
      tpu.wait_indirect_dma semaphore(%run_scoped3A_123 : memref<!tpu.dma_semaphore, #tpu.memory_space<semaphore_mem>>) src(%dma_wait3A_135 : memref<16x128xf32, #tpu.memory_space<vmem>>) dst(%dma_wait3A_141 : memref<10112x128xf32, #tpu.memory_space<vmem_shared>>)
      tpu.yield
    }) : () -> ()
    %barrier3A_118 = arith.constant 0 : index
    tpu.barrier barrier_id(%barrier3A_118)
    %mul3A_119 = arith.constant 632 : i32
    %mul3A_120 = arith.muli %arg1, %mul3A_119 : i32
    %mul3A_121 = arith.constant 632 : i32
    %mul3A_122 = arith.muli %arg1, %mul3A_121 : i32
    "tpu.region"() ({
      %run_scoped3A_123 = tpu.sem_alloc : memref<!tpu.dma_semaphore, #tpu.memory_space<semaphore_mem>>
      %dma_start3A_124 = arith.constant 0 : i32
      %dma_start3A_125 = tpu.memref_slice %arg5[%arg0, %mul3A_122, %dma_start3A_124] : memref<2x10112x128xf32, #tpu.memory_space<hbm>> -> memref<1x632x128xf32, #tpu.memory_space<hbm>>
      %dma_start3A_126 = tpu.memref_squeeze %dma_start3A_125 : memref<1x632x128xf32, #tpu.memory_space<hbm>> -> memref<632x128xf32, #tpu.memory_space<hbm>>
      %dma_start3A_127 = arith.constant 0 : i32
      %dma_start3A_128 = tpu.memref_slice %arg10[%mul3A_120, %dma_start3A_127] : memref<10112x128xf32, #tpu.memory_space<vmem_shared>> -> memref<632x128xf32, #tpu.memory_space<vmem_shared>>
      tpu.enqueue_dma source(%dma_start3A_128 : memref<632x128xf32, #tpu.memory_space<vmem_shared>>) target(%dma_start3A_126 : memref<632x128xf32, #tpu.memory_space<hbm>>) target_semaphore(%run_scoped3A_123 : memref<!tpu.dma_semaphore, #tpu.memory_space<semaphore_mem>>)
      %dma_wait3A_129 = arith.constant 0 : i32
      %dma_wait3A_130 = tpu.memref_slice %arg5[%arg0, %mul3A_122, %dma_wait3A_129] : memref<2x10112x128xf32, #tpu.memory_space<hbm>> -> memref<1x632x128xf32, #tpu.memory_space<hbm>>
      %dma_wait3A_131 = tpu.memref_squeeze %dma_wait3A_130 : memref<1x632x128xf32, #tpu.memory_space<hbm>> -> memref<632x128xf32, #tpu.memory_space<hbm>>
      %dma_wait3A_132 = arith.constant 0 : i32
      %dma_wait3A_133 = tpu.memref_slice %arg10[%mul3A_120, %dma_wait3A_132] : memref<10112x128xf32, #tpu.memory_space<vmem_shared>> -> memref<632x128xf32, #tpu.memory_space<vmem_shared>>
      tpu.wait_dma2 semaphore(%run_scoped3A_123 : memref<!tpu.dma_semaphore, #tpu.memory_space<semaphore_mem>>) src(%dma_wait3A_133 : memref<632x128xf32, #tpu.memory_space<vmem_shared>>) dst(%dma_wait3A_131 : memref<632x128xf32, #tpu.memory_space<hbm>>)
      tpu.yield
    }) : () -> ()
    return
  }
}

module attributes {stable_mosaic.version = 14 : i64} {
  func.func @body(%arg0: i32, %arg1: memref<5000x128xf32, #tpu.memory_space<vmem>>, %arg2: memref<2x5000x128xf32, #tpu.memory_space<vmem>>, %arg3: memref<256x128xf32, #tpu.memory_space<vmem>>, %arg4: memref<1x128xf32, #tpu.memory_space<vmem>>, %arg5: memref<128x128xf32, #tpu.memory_space<vmem>>, %arg6: memref<1x128xf32, #tpu.memory_space<vmem>>, %arg7: memref<128x128xf32, #tpu.memory_space<vmem>>, %arg8: memref<1x128xf32, #tpu.memory_space<vmem>>, %arg9: memref<1x128xf32, #tpu.memory_space<vmem>>, %arg10: memref<1x128xf32, #tpu.memory_space<vmem>>, %arg11: memref<5000x128xf32, #tpu.memory_space<vmem>>) attributes {dimension_semantics = [#tpu.dimension_semantics<arbitrary>], iteration_bounds = array<i64: 2>, scalar_prefetch = 0 : i64, scratch_operands = 0 : i64, tpu.core_type = #tpu.core_type<tc>, window_params = [{transform_indices = @transform_0, window_bounds = array<i64: 5000, 128>}, {transform_indices = @transform_1, window_bounds = array<i64: 2, 5000, 128>}, {pipeline_mode = #tpu.pipeline_mode<synchronous>, transform_indices = @transform_2, window_bounds = array<i64: 256, 128>}, {pipeline_mode = #tpu.pipeline_mode<synchronous>, transform_indices = @transform_3, window_bounds = array<i64: 1, 128>}, {pipeline_mode = #tpu.pipeline_mode<synchronous>, transform_indices = @transform_4, window_bounds = array<i64: 128, 128>}, {pipeline_mode = #tpu.pipeline_mode<synchronous>, transform_indices = @transform_5, window_bounds = array<i64: 1, 128>}, {pipeline_mode = #tpu.pipeline_mode<synchronous>, transform_indices = @transform_6, window_bounds = array<i64: 128, 128>}, {pipeline_mode = #tpu.pipeline_mode<synchronous>, transform_indices = @transform_7, window_bounds = array<i64: 1, 128>}, {pipeline_mode = #tpu.pipeline_mode<synchronous>, transform_indices = @transform_8, window_bounds = array<i64: 1, 128>}, {pipeline_mode = #tpu.pipeline_mode<synchronous>, transform_indices = @transform_9, window_bounds = array<i64: 1, 128>}, {transform_indices = @transform_10, window_bounds = array<i64: 5000, 128>}]} {
    %get3A = arith.constant 0 : index
    %get3A_0 = arith.constant 0 : index
    %get3A_1 = vector.load %arg1[%get3A, %get3A_0] : memref<5000x128xf32, #tpu.memory_space<vmem>>, vector<5000x128xf32>
    %get3A_2 = arith.constant 0 : index
    %get3A_3 = arith.constant 0 : index
    %get3A_4 = arith.constant 0 : index
    %get3A_5 = vector.load %arg2[%get3A_2, %get3A_3, %get3A_4] : memref<2x5000x128xf32, #tpu.memory_space<vmem>>, vector<1x5000x128xf32>
    %get3A_6 = vector.shape_cast %get3A_5 : vector<1x5000x128xf32> to vector<5000x128xf32>
    %get3A_7 = arith.constant 1 : index
    %get3A_8 = arith.constant 0 : index
    %get3A_9 = arith.constant 0 : index
    %get3A_10 = vector.load %arg2[%get3A_7, %get3A_8, %get3A_9] : memref<2x5000x128xf32, #tpu.memory_space<vmem>>, vector<1x5000x128xf32>
    %get3A_11 = vector.shape_cast %get3A_10 : vector<1x5000x128xf32> to vector<5000x128xf32>
    %add3A = arith.addf %get3A_6, %get3A_11 : vector<5000x128xf32>
    %get3A_12 = arith.constant 0 : index
    %get3A_13 = arith.constant 0 : index
    %get3A_14 = vector.load %arg3[%get3A_12, %get3A_13] : memref<256x128xf32, #tpu.memory_space<vmem>>, vector<128x128xf32>
    %dot_general3A = arith.constant dense<0.000000e+00> : vector<5000x128xf32>
    %dot_general3A_15 = tpu.matmul %get3A_1, %get3A_14, %dot_general3A {dimension_numbers = #tpu.dot_dimension_numbers<[1], [0], [0], [1], [0, 0, 1, 1], [], []>, transpose_lhs_hint = false} : vector<5000x128xf32>, vector<128x128xf32>, vector<5000x128xf32> -> vector<5000x128xf32>
    %get3A_16 = arith.constant 128 : index
    %get3A_17 = arith.constant 0 : index
    %get3A_18 = vector.load %arg3[%get3A_16, %get3A_17] : memref<256x128xf32, #tpu.memory_space<vmem>>, vector<128x128xf32>
    %dot_general3A_19 = arith.constant dense<0.000000e+00> : vector<5000x128xf32>
    %dot_general3A_20 = tpu.matmul %add3A, %get3A_18, %dot_general3A_19 {dimension_numbers = #tpu.dot_dimension_numbers<[1], [0], [0], [1], [0, 0, 1, 1], [], []>, transpose_lhs_hint = false} : vector<5000x128xf32>, vector<128x128xf32>, vector<5000x128xf32> -> vector<5000x128xf32>
    %add3A_21 = arith.addf %dot_general3A_15, %dot_general3A_20 : vector<5000x128xf32>
    %get3A_22 = arith.constant 0 : index
    %get3A_23 = arith.constant 0 : index
    %get3A_24 = vector.load %arg4[%get3A_22, %get3A_23] : memref<1x128xf32, #tpu.memory_space<vmem>>, vector<1x128xf32>
    %add3A_25 = vector.broadcast %get3A_24 : vector<1x128xf32> to vector<5000x128xf32>
    %add3A_26 = arith.addf %add3A_21, %add3A_25 : vector<5000x128xf32>
    %max3A = arith.constant 0.000000e+00 : f32
    %max3A_27 = vector.broadcast %max3A : f32 to vector<5000x128xf32>
    %max3A_28 = arith.maximumf %add3A_26, %max3A_27 : vector<5000x128xf32>
    %get3A_29 = arith.constant 0 : index
    %get3A_30 = arith.constant 0 : index
    %get3A_31 = vector.load %arg5[%get3A_29, %get3A_30] : memref<128x128xf32, #tpu.memory_space<vmem>>, vector<128x128xf32>
    %dot_general3A_32 = arith.constant dense<0.000000e+00> : vector<5000x128xf32>
    %dot_general3A_33 = tpu.matmul %max3A_28, %get3A_31, %dot_general3A_32 {dimension_numbers = #tpu.dot_dimension_numbers<[1], [0], [0], [1], [0, 0, 1, 1], [], []>, transpose_lhs_hint = false} : vector<5000x128xf32>, vector<128x128xf32>, vector<5000x128xf32> -> vector<5000x128xf32>
    %get3A_34 = arith.constant 0 : index
    %get3A_35 = arith.constant 0 : index
    %get3A_36 = vector.load %arg6[%get3A_34, %get3A_35] : memref<1x128xf32, #tpu.memory_space<vmem>>, vector<1x128xf32>
    %add3A_37 = vector.broadcast %get3A_36 : vector<1x128xf32> to vector<5000x128xf32>
    %add3A_38 = arith.addf %dot_general3A_33, %add3A_37 : vector<5000x128xf32>
    %max3A_39 = arith.constant 0.000000e+00 : f32
    %max3A_40 = vector.broadcast %max3A_39 : f32 to vector<5000x128xf32>
    %max3A_41 = arith.maximumf %add3A_38, %max3A_40 : vector<5000x128xf32>
    %get3A_42 = arith.constant 0 : index
    %get3A_43 = arith.constant 0 : index
    %get3A_44 = vector.load %arg7[%get3A_42, %get3A_43] : memref<128x128xf32, #tpu.memory_space<vmem>>, vector<128x128xf32>
    %dot_general3A_45 = arith.constant dense<0.000000e+00> : vector<5000x128xf32>
    %dot_general3A_46 = tpu.matmul %max3A_41, %get3A_44, %dot_general3A_45 {dimension_numbers = #tpu.dot_dimension_numbers<[1], [0], [0], [1], [0, 0, 1, 1], [], []>, transpose_lhs_hint = false} : vector<5000x128xf32>, vector<128x128xf32>, vector<5000x128xf32> -> vector<5000x128xf32>
    %get3A_47 = arith.constant 0 : index
    %get3A_48 = arith.constant 0 : index
    %get3A_49 = vector.load %arg8[%get3A_47, %get3A_48] : memref<1x128xf32, #tpu.memory_space<vmem>>, vector<1x128xf32>
    %add3A_50 = vector.broadcast %get3A_49 : vector<1x128xf32> to vector<5000x128xf32>
    %add3A_51 = arith.addf %dot_general3A_46, %add3A_50 : vector<5000x128xf32>
    %reduce_sum3A = arith.constant dense<0.000000e+00> : vector<5000xf32>
    %reduce_sum3A_52 = vector.multi_reduction <add>, %add3A_51, %reduce_sum3A [1] : vector<5000x128xf32> to vector<5000xf32>
    %broadcast_in_dim3A = vector.shape_cast %reduce_sum3A_52 : vector<5000xf32> to vector<5000x1xf32>
    %div3A = arith.constant 1.280000e+02 : f32
    %div3A_53 = vector.broadcast %div3A : f32 to vector<5000x1xf32>
    %div3A_54 = arith.divf %broadcast_in_dim3A, %div3A_53 : vector<5000x1xf32>
    %sub3A = vector.broadcast %div3A_54 : vector<5000x1xf32> to vector<5000x128xf32>
    %sub3A_55 = arith.subf %add3A_51, %sub3A : vector<5000x128xf32>
    %sub3A_56 = vector.broadcast %div3A_54 : vector<5000x1xf32> to vector<5000x128xf32>
    %sub3A_57 = arith.subf %add3A_51, %sub3A_56 : vector<5000x128xf32>
    %mul3A = arith.mulf %sub3A_55, %sub3A_57 : vector<5000x128xf32>
    %reduce_sum3A_58 = arith.constant dense<0.000000e+00> : vector<5000xf32>
    %reduce_sum3A_59 = vector.multi_reduction <add>, %mul3A, %reduce_sum3A_58 [1] : vector<5000x128xf32> to vector<5000xf32>
    %broadcast_in_dim3A_60 = vector.shape_cast %reduce_sum3A_59 : vector<5000xf32> to vector<5000x1xf32>
    %div3A_61 = arith.constant 1.280000e+02 : f32
    %div3A_62 = vector.broadcast %div3A_61 : f32 to vector<5000x1xf32>
    %div3A_63 = arith.divf %broadcast_in_dim3A_60, %div3A_62 : vector<5000x1xf32>
    %sub3A_64 = vector.broadcast %div3A_54 : vector<5000x1xf32> to vector<5000x128xf32>
    %sub3A_65 = arith.subf %add3A_51, %sub3A_64 : vector<5000x128xf32>
    %add3A_66 = arith.constant 9.99999974E-6 : f32
    %add3A_67 = vector.broadcast %add3A_66 : f32 to vector<5000x1xf32>
    %add3A_68 = arith.addf %div3A_63, %add3A_67 : vector<5000x1xf32>
    %rsqrt3A = math.rsqrt %add3A_68 : vector<5000x1xf32>
    %mul3A_69 = vector.broadcast %rsqrt3A : vector<5000x1xf32> to vector<5000x128xf32>
    %mul3A_70 = arith.mulf %sub3A_65, %mul3A_69 : vector<5000x128xf32>
    %get3A_71 = arith.constant 0 : index
    %get3A_72 = arith.constant 0 : index
    %get3A_73 = vector.load %arg9[%get3A_71, %get3A_72] : memref<1x128xf32, #tpu.memory_space<vmem>>, vector<1x128xf32>
    %mul3A_74 = vector.broadcast %get3A_73 : vector<1x128xf32> to vector<5000x128xf32>
    %mul3A_75 = arith.mulf %mul3A_70, %mul3A_74 : vector<5000x128xf32>
    %get3A_76 = arith.constant 0 : index
    %get3A_77 = arith.constant 0 : index
    %get3A_78 = vector.load %arg10[%get3A_76, %get3A_77] : memref<1x128xf32, #tpu.memory_space<vmem>>, vector<1x128xf32>
    %add3A_79 = vector.broadcast %get3A_78 : vector<1x128xf32> to vector<5000x128xf32>
    %add3A_80 = arith.addf %mul3A_75, %add3A_79 : vector<5000x128xf32>
    %add3A_81 = arith.addf %add3A_80, %get3A_1 : vector<5000x128xf32>
    %swap3A = arith.constant 0 : index
    %swap3A_82 = arith.constant 0 : index
    %swap3A_83 = vector.load %arg11[%swap3A, %swap3A_82] : memref<5000x128xf32, #tpu.memory_space<vmem>>, vector<5000x128xf32>
    tpu.vector_store %arg11[%swap3A, %swap3A_82], %add3A_81 {strides = array<i32>} : memref<5000x128xf32, #tpu.memory_space<vmem>>, vector<5000x128xf32>,
    return
  }
  func.func @transform_0(%arg0: i32) -> (i32, i32) {
    %c0_i32 = arith.constant 0 : i32
    %c0_i32_0 = arith.constant 0 : i32
    return %arg0, %c0_i32 : i32, i32
  }
  func.func @transform_1(%arg0: i32) -> (i32, i32, i32) {
    %c0_i32 = arith.constant 0 : i32
    %c0_i32_0 = arith.constant 0 : i32
    %c0_i32_1 = arith.constant 0 : i32
    return %c0_i32, %arg0, %c0_i32_0 : i32, i32, i32
  }
  func.func @transform_2(%arg0: i32) -> (i32, i32) {
    %c0_i32 = arith.constant 0 : i32
    %c0_i32_0 = arith.constant 0 : i32
    %c0_i32_1 = arith.constant 0 : i32
    return %c0_i32, %c0_i32_0 : i32, i32
  }
  func.func @transform_3(%arg0: i32) -> (i32, i32) {
    %c0_i32 = arith.constant 0 : i32
    %c0_i32_0 = arith.constant 0 : i32
    %c0_i32_1 = arith.constant 0 : i32
    return %c0_i32, %c0_i32_0 : i32, i32
  }
  func.func @transform_4(%arg0: i32) -> (i32, i32) {
    %c0_i32 = arith.constant 0 : i32
    %c0_i32_0 = arith.constant 0 : i32
    %c0_i32_1 = arith.constant 0 : i32
    return %c0_i32, %c0_i32_0 : i32, i32
  }
  func.func @transform_5(%arg0: i32) -> (i32, i32) {
    %c0_i32 = arith.constant 0 : i32
    %c0_i32_0 = arith.constant 0 : i32
    %c0_i32_1 = arith.constant 0 : i32
    return %c0_i32, %c0_i32_0 : i32, i32
  }
  func.func @transform_6(%arg0: i32) -> (i32, i32) {
    %c0_i32 = arith.constant 0 : i32
    %c0_i32_0 = arith.constant 0 : i32
    %c0_i32_1 = arith.constant 0 : i32
    return %c0_i32, %c0_i32_0 : i32, i32
  }
  func.func @transform_7(%arg0: i32) -> (i32, i32) {
    %c0_i32 = arith.constant 0 : i32
    %c0_i32_0 = arith.constant 0 : i32
    %c0_i32_1 = arith.constant 0 : i32
    return %c0_i32, %c0_i32_0 : i32, i32
  }
  func.func @transform_8(%arg0: i32) -> (i32, i32) {
    %c0_i32 = arith.constant 0 : i32
    %c0_i32_0 = arith.constant 0 : i32
    %c0_i32_1 = arith.constant 0 : i32
    return %c0_i32, %c0_i32_0 : i32, i32
  }
  func.func @transform_9(%arg0: i32) -> (i32, i32) {
    %c0_i32 = arith.constant 0 : i32
    %c0_i32_0 = arith.constant 0 : i32
    %c0_i32_1 = arith.constant 0 : i32
    return %c0_i32, %c0_i32_0 : i32, i32
  }
  func.func @transform_10(%arg0: i32) -> (i32, i32) {
    %c0_i32 = arith.constant 0 : i32
    %c0_i32_0 = arith.constant 0 : i32
    return %arg0, %c0_i32 : i32, i32
  }
}

</mosaic_0001>

<sc_bundles>
// kernel: kernel.4.cloned.1.call-start
scs
__scs_entry_jumppad:
0x0: {  	(pc) =	sbr.rel $0x88, $3  }
0x1: {  	(tag) =	ssettag $0x0;
	lr =	simm.s32 $0x1  }
0x2: {  	[smem:$0x3F96] =	sst lr;
	_ =	strace $0xD0000000  }
0x3: {  	_ = 	snop  }
0x4: {  	_ = 	snop  }
0x5: {  	_ = 	snop  }
0x6: {  	_ = 	snop  }
0x7: {  	_ = 	snop  }
__scs_overlays_trampoline_lowered:
0x8: {  	[smem:$0x3FA5] =	sst s0  }
0x9: {  	[smem:$0x3FA6] =	sst s1  }
0xa: {  	[smem:$0x3FA7] =	sst s2  }
0xb: {  	[smem:$0x3FA8] =	sst s3  }
0xc: {  	[smem:$0x3FA9] =	sst s4  }
0xd: {  	[smem:$0x3FAA] =	sst s5  }
0xe: {  	[smem:$0x3FAB] =	sst s6  }
0xf: {  	[smem:$0x3FAC] =	sst s7  }
0x10: {  	[smem:$0x3FAD] =	sst s8  }
0x11: {  	[smem:$0x3FAE] =	sst s9;
	s0 =	simm.s32 @!p0 $0x0  }
0x12: {  	s1 =	sld [smem:$0x3F94];
	s0 =	simm.s32 @p0 $0x1  }
0x13: {  	[smem:$0x3FAF] =	sst s0;
	s0 =	simm.s32 @!p1 $0x0  }
0x14: {  	s2 =	sld [smem:$0x3F93];
	s0 =	simm.s32 @p1 $0x1  }
0x15: {  	[smem:$0x3FB0] =	sst s0;
	s0 =	simm.s32 @!p2 $0x0  }
0x16: {  	s3 =	sld [smem:$0x3FDB];
	s0 =	simm.s32 @p2 $0x1  }
0x17: {  	s4 =	simm.s32 $0x1BF5;
	[smem:$0x3FB2] =	sst s0  }
0x18: {  	s0 =	sld [smem:$0x3F95];
	_ =	swait.ge [sflag:s4], $0x0  }
0x19: {  	s7 =	sld [smem:$0x3F96]  }
0x1a: {  	s8 =	sadd.s32 $0xFFFFE003, lr  }
0x1b: {  	s9 =	sadd.s32 $0xFFFFFEF7, lr;
	s5 =	simm.s32 $0xFFFFFFFF;
	p2 =	slt.u32 s8, $0xFFFFF086  }
0x1c: {  	p1 =	slt.u32 s9, $0xF7A;
	s5 =	simm.s32 @!p2 $0x0  }
0x1d: {  	s5 =	simm.s32 @p1 $0x1;
	p0 =	seq.s32 s7, s2  }
0x1e: {  	s7 =	smul.u32 @!p0 $0xF7A, s2;
	p2 =	seq.s32 @!p0 s5, $0x0  }
0x1f: {  	s9 =	smul.u32 $0xF7A, s1;
	s8 =	simm.s32 @!p0 $0x1BF5;
	p2 =	por !p2, p0  }
0x20: {  	[sflag:s8] =	ssyncset.s32 @!p0 $0xFFFFF086;
	s6 =	sadd.s32 @!p0 s3, s7;
	s7 =	simm.s32 @!p0 $0x108  }
0x21: {  	s3 =	sadd.s32 s3, s9;
	s6 =	sadd.s32 @!p0 $0x88, s6;
	s7 =	simm.s32 @p2 $0x1082  }
0x22: {  	[simem:s7], [sflag:s8] =	dma.local @!p0 [hbm:s6], $0xF7A  }
0x23: {  	s9 =	sor.u32 $0xD0000000, s2;
	s6 =	simm.s32 $0x108;
	_ =	swait.ge @!p0 [sflag:s8], $0x0  }
0x24: {  	s3 =	sadd.s32 $0x88, s3;
	s6 =	simm.s32 @!p1 $0x1082;
	[sflag:s4] =	ssyncset.s32 $0xFFFFF086  }
0x25: {  	[simem:s6], [sflag:s4] =	dma.local [hbm:s3], $0xF7A  }
0x26: {  	[smem:$0x3F96] =	sst s1;
	(tag) =	ssettag s2;
	_ =	strace s9  }
0x27: {  	s1 =	sld [smem:$0x3FA6]  }
0x28: {  	s2 =	sld [smem:$0x3FA7]  }
0x29: {  	s4 =	sld [smem:$0x3FA9]  }
0x2a: {  	p0 =	seq.s32 s5, $0x0;
	s5 =	sld [smem:$0x3FAA]  }
0x2b: {  	s6 =	sld [smem:$0x3FAB]  }
0x2c: {  	s7 =	sld [smem:$0x3FAC]  }
0x2d: {  	s3 =	simm.s32 $0x108;
	s8 =	sld [smem:$0x3FAD]  }
0x2e: {  	s3 =	simm.s32 @!p0 $0x1082;
	s9 =	sld [smem:$0x3FAE]  }
0x2f: {  	lr =	sadd.s32 s0, s3;
	s0 =	sld [smem:$0x3FA5]  }
0x30: {  	s3 =	sld [smem:$0x3FA8]  }
0x31: {  	[smem:$0x3FB1] =	sst s10  }
0x32: {  	s10 =	sld [smem:$0x3FAF];
	_ =	sdelay $0x3  }
0x33: {  	p0 =	seq.s32 s10, $0x1;
	s10 =	sld [smem:$0x3FB1];
	_ =	sdelay $0x3  }
0x34: {  	[smem:$0x3FB1] =	sst s10  }
0x35: {  	s10 =	sld [smem:$0x3FB0];
	_ =	sdelay $0x3  }
0x36: {  	p1 =	seq.s32 s10, $0x1;
	s10 =	sld [smem:$0x3FB1];
	_ =	sdelay $0x3  }
0x37: {  	[smem:$0x3FB1] =	sst s10  }
0x38: {  	s10 =	sld [smem:$0x3FB2]  }
0x39: {  	_ = 	snop;
	(pc) =	sbr.ind lr, $3  }
0x3a: {  	_ = 	snop  }
0x3b: {  	_ = 	snop  }
0x3c: {  	p2 =	seq.s32 s10, $0x1;
	s10 =	sld [smem:$0x3FB1]  }
0x3d: {  	_ =	shalt  }
0x3e: {  	_ =	shalt  }
0x3f: {  	_ =	shalt  }
0x40: {  	_ =	shalt  }
0x41: {  	_ =	shalt  }
0x42: {  	_ =	shalt  }
0x43: {  	_ =	shalt  }
0x44: {  	_ =	shalt  }
0x45: {  	_ =	shalt  }
0x46: {  	_ =	shalt  }
0x47: {  	_ =	shalt  }
0x48: {  	_ =	shalt  }
0x49: {  	_ =	shalt  }
0x4a: {  	_ =	shalt  }
0x4b: {  	_ =	shalt  }
0x4c: {  	_ =	shalt  }
0x4d: {  	_ =	shalt  }
0x4e: {  	_ =	shalt  }
0x4f: {  	_ =	shalt  }
0x50: {  	_ =	shalt  }
0x51: {  	_ =	shalt  }
0x52: {  	_ =	shalt  }
0x53: {  	_ =	shalt  }
0x54: {  	_ =	shalt  }
0x55: {  	_ =	shalt  }
0x56: {  	_ =	shalt  }
0x57: {  	_ =	shalt  }
0x58: {  	_ =	shalt  }
0x59: {  	_ =	shalt  }
0x5a: {  	_ =	shalt  }
0x5b: {  	_ =	shalt  }
0x5c: {  	_ =	shalt  }
0x5d: {  	_ =	shalt  }
0x5e: {  	_ =	shalt  }
0x5f: {  	_ =	shalt  }
0x60: {  	_ =	shalt  }
0x61: {  	_ =	shalt  }
0x62: {  	_ =	shalt  }
0x63: {  	_ =	shalt  }
0x64: {  	_ =	shalt  }
0x65: {  	_ =	shalt  }
0x66: {  	_ =	shalt  }
0x67: {  	_ =	shalt  }
0x68: {  	_ =	shalt  }
0x69: {  	_ =	shalt  }
0x6a: {  	_ =	shalt  }
0x6b: {  	_ =	shalt  }
0x6c: {  	_ =	shalt  }
0x6d: {  	_ =	shalt  }
0x6e: {  	_ =	shalt  }
0x6f: {  	_ =	shalt  }
0x70: {  	_ =	shalt  }
0x71: {  	_ =	shalt  }
0x72: {  	_ =	shalt  }
0x73: {  	_ =	shalt  }
0x74: {  	_ =	shalt  }
0x75: {  	_ =	shalt  }
0x76: {  	_ =	shalt  }
0x77: {  	_ =	shalt  }
0x78: {  	_ =	shalt  }
0x79: {  	_ =	shalt  }
0x7a: {  	_ =	shalt  }
0x7b: {  	_ =	shalt  }
0x7c: {  	_ =	shalt  }
0x7d: {  	_ =	shalt  }
0x7e: {  	_ =	shalt  }
0x7f: {  	_ =	shalt  }
0x80: {  	_ =	shalt  }
0x81: {  	_ =	shalt  }
0x82: {  	_ =	shalt  }
0x83: {  	_ =	shalt  }
0x84: {  	_ =	shalt  }
0x85: {  	_ =	shalt  }
0x86: {  	_ =	shalt  }
0x87: {  	_ =	shalt  }
.Lfunc_end0:
.L_simem_size_0:
called_computation_lowered:
.L_overlay_start_0:
0x88: {  	s2 =	sld [smem:$0x3FD9]  }
0x89: {  	s3 =	sld [smem:$0x3FFE];
	_ =	sdelay $0x1  }
0x8a: {  	s1 =	srdreg.scid  }
0x8b: {  	s0 =	sand.u32 $0x1, s1  }
0x8c: {  	s17 =	sshll.u32 s0, $0xA;
	s2 =	sadd.s32 s3, s2  }
0x8d: {  	s2 =	sadd.s32 s2, s17  }
0x8e: {  	[smem:$0x3FBD] =	sst s2  }
0x8f: {  	_ = 	snop  }
0x90: {  	s2 =	sld [smem:$0x3FC7]  }
0x91: {  	s18 =	sld [smem:$0x3FD0];
	(tm) =	ssettm $0x1  }
0x92: {  	s4 =	sld [smem:$0x3FFB];
	_ =	sdelay $0x3  }
0x93: {  	_ =	strace s4  }
0x94: {  	s4 =	sld [smem:$0x3FFC];
	_ =	sdelay $0x3  }
0x95: {  	_ =	strace s4  }
0x96: {  	s4 =	sld [smem:$0x3FFD];
	_ =	sdelay $0x3  }
0x97: {  	_ =	strace s4  }
0x98: {  	_ =	strace $0x8FFFFFFF  }
0x99: {  	s19 =	sld [smem:$0x3FDB];
	_ =	sdelay $0x1  }
0x9a: {  	s5 =	simm.s32 $_scs_section_size  }
0x9b: {  	s6 =	simm.s32 $_size__tile_overlayer_lowered;
	s7 =	simm.s32 $_tile_overlayer_lowered  }
0x9c: {  	s22 =	simm.s32 $0x1BFF;
	s21 =	sshll.u32 s7, $0x1;
	s4 =	sadd.s32 s5, s19  }
0x9d: {  	s8 =	simm.s32 $0x0;
	s20 =	sshll.u32 s6, $0x1;
	s6 =	sadd.s32 s21, s4  }
0x9e: {  	[timem:s8], [sflag:s22] =	dma.local [hbm:s6], s20  }
0x9f: {  	_ =	swait.ge [sflag:s22], s20  }
0xa0: {  	s5 =	ssub.s32 $0x0, s20;
	[sflag:s22] =	ssyncset.done $0x0  }
0xa1: {  	[sflag:s22] =	ssyncadd.s32 s5;
	_ =	sdelay $0x1  }
0xa2: {  	s23 =	simm.s32 $0x1B8B  }
0xa3: {  	_ =	swait.ge [sflag:s23], $0x1  }
0xa4: {  	[sflag:s23] =	ssyncset.done $0x0  }
0xa5: {  	s25 =	simm.s32 $0x1B8E;
	s24 =	sld [smem:$0x3FFE];
	[sflag:s23] =	ssyncadd.s32 $0xFFFFFFFF  }
0xa6: {  	s26 =	simm.s32 $execute0_lowered;
	[smem:$0x3FD2] =	sst s25  }
0xa7: {  	s6 =	sshll.u32 s26, $0x1;
	_ =	strace $0x80000046;
	[dreg:$0x1] =	wrdreg $0xFFFFFFFF  }
0xa8: {  	s28 =	simm.s32 $_size_execute0_lowered;
	s4 =	sadd.s32 s4, s6;
	[dreg:$0x0] =	wrdreg $0x0  }
0xa9: {  	s6 =	sshll.u32 s28, $0x1;
	[dreg:$0x2] =	wrdreg s4  }
0xaa: {  	[dreg:$0x3] =	wrdreg s6  }
0xab: {  	[dreg:$0x4] =	wrdreg $0xC0  }
0xac: {  	_ =	task [dreg:s8], $0x5FFFF  }
0xad: {  	[dreg:$0x1] =	wrdreg $0xFFFFFFFF  }
0xae: {  	[dreg:$0x0] =	wrdreg $0x60  }
0xaf: {  	[dreg:$0x2] =	wrdreg s18  }
0xb0: {  	[dreg:$0x3] =	wrdreg s24  }
0xb1: {  	[dreg:$0x4] =	wrdreg s2  }
0xb2: {  	[dreg:$0x5] =	wrdreg $0xA8800  }
0xb3: {  	[dreg:$0x6] =	wrdreg $0x9  }
0xb4: {  	_ =	task.clear_ibuf [dreg:s8], $0x7FFFF;
	_ =	strace $0x90000046  }
0xb5: {  	s29 =	simm.s32 $0x9;
	_ =	strace $0x80000048  }
0xb6: {  	_ =	swait.ge [sflag:s29], $0x1  }
0xb7: {  	[sflag:s29] =	ssyncadd.s32 $0xFFFFFFFF  }
0xb8: {  	_ =	strace $0x90000048  }
0xb9: {  	_ =	sfence  }
0xba: {  	s30 =	sld [smem:$0x0];
	_ =	sdelay $0x2  }
0xbb: {  	s31 =	sshll.u32 s1, $0xD;
	s1 =	sshrl.u32 s1, $0x2  }
0xbc: {  	s3 =	sand.u32 $0x4000, s31;
	s1 =	sadd.s32 s1, s30  }
0xbd: {  	s0 =	sor.u32 s3, s0;
	s1 =	sshll.u32 s1, $0x11  }
0xbe: {  	s0 =	sor.u32 s1, s0  }
0xbf: {  	s0 =	sadd.s32 $0x8F2B, s0  }
0xc0: {  	[sflag:s0] =	ssyncadd.remote.s32 $0x1  }
0xc1: {  	_ =	sfence.sel $0xFFFF  }
0xc2: {  	[dreg:$0x0] =	wrdreg $0xFFFFFFFF;
	(pc) =	sbr.abs _section_cstart, $3  }
0xc3: {  	[dreg:$0x1] =	wrdreg $0xFFFFFFFF  }
0xc4: {  	_ =	task.clear_ibuf [dreg:s8], $0x2FFFF;
	_ =	strace $0x9FFFFFFF  }
0xc5: {  	(tm) =	ssettm $0x7FFFFFFF  }
tec
execute0_lowered:
.L_overlay_start_1:
0x0: {  	(tag) =	ssettag $0x1  }
0x1: {  	s9 =	rddreg [dreg:$0x0]  }
0x2: {  	s4 =	rddreg [dreg:$0x1]  }
0x3: {  	s14 =	rddreg [dreg:$0x2];
	s0 =	srdreg.scid  }
0x4: {  	s2 =	rddreg [dreg:$0x3];
	s1 =	stileid.u32  }
0x5: {  	s3 =	simm.s32 $0x0;
	s19 =	simm.s32 $0x2800;
	s22 =	smul.u32 $0x13C00, s1  }
0x6: {  	s20 =	simm.s32 $0x1;
	s21 =	simm.s32 $0x2;
	s8 =	smul.u32 $0x4F000, s1  }
0x7: {  	s28 =	simm.s32 $0x0;
	s12 =	sand.u32 $0x1, s0;
	s18 =	smul.u32 $0x4E200, s1  }
0x8: {  	s5 =	sshll.u32 s1, $0x1;
	[smem:$0x7FF] =	sst s3;
	s6 =	smul.u32 $0x13C000, s12  }
0x9: {  	s10 =	sor.u32 s12, s5;
	_ =	strace $0x80000047;
	s30 =	smul.u32 $0x27100, s12  }
0xa: {  	s23 =	ssub.s32 $0x2, s12;
	s7 =	sshll.u32 s10, $0x4;
	s13 =	smul.u32 $0x500, s10  }
0xb: {  	s24 =	sshrl.u32 s8, $0x2;
	s25 =	sshrl.u32 s23, $0x1;
	s17 =	smul.u32 $0x138800, s10  }
0xc: {  	s26 =	smul.u32 $0x27100, s10;
	s18 =	sadd.s32 s18, s14;
	s11 =	sadd.s32 s7, s4  }
0xd: {  	s5 =	sadd.s32 s22, s6;
	s16 =	ssub.s32 s23, s25;
	s31 =	sadd.s32 s30, s18  }
0xe: {  	s18 =	simm.s32 $0x3;
	s22 =	simm.s32 $0x6880;
	s23 =	simm.s32 $0x80  }
0xf: {  	s25 =	simm.s32 $0x2680;
	s5 =	sshrl.u32 s5, $0x3;
	s9 =	sadd.s32 s9, s13  }
0x10: {  	s10 =	sadd.s32 $0x1400, s11;
	s17 =	sshrl.u32 s17, $0x3;
	s11 =	sadd.s32 s14, s26  }
0x11: {  	s26 =	simm.s32 $0x10;
	s15 =	sadd.s32 s5, s4;
	s4 =	sadd.s32 s24, s2  }
0x12: {  	s29 =	sadd.s32 s14, s17;
	s17 =	simm.s32 $0x2880;
	s24 =	simm.s32 $0x2600  }
0x13: {  	s5 =	sadd.s32 $0x4000, s4;
	s6 =	sadd.s32 $0x8000, s4;
	s7 =	sadd.s32 $0xC000, s4  }
0x14: {  	s8 =	sadd.s32 $0x10000, s4;
	s12 =	sadd.s32 $0x26800, s29;
	s13 =	sadd.s32 $0x27000, s29  }
0x15: {  	v0 =	vimm.f32 $0.0e+00;
	s14 =	sadd.s32 $0x1600, s15;
	s15 =	smax.u32 s16, $0x1;
	s16 =	sadd.s32 $0x1000, s31  }
.LBB2_1:
0x16: {  	s29 =	simm.s32 $0x0;
	s30 =	simm.s32 $0x200  }
.LBB2_2:
0x17: {  	p0 =	sne.s32 s30, $0xFE00;
	[tilespmem:s29+$0x28F0] =	vst v0  }
0x18: {  	[tilespmem:s29+$0x2880] =	vst v0  }
0x19: {  	[tilespmem:s29+$0x2890] =	vst v0  }
.Ltmp0:
0x1a: {  	[tilespmem:s29+$0x28A0] =	vst v0;
	(pc) =	sbr.rel @p0 .LBB2_2-.Ltmp0, $4  }
0x1b: {  	[tilespmem:s29+$0x28B0] =	vst v0  }
0x1c: {  	[tilespmem:s29+$0x28C0] =	vst v0  }
0x1d: {  	[tilespmem:s29+$0x28D0] =	vst v0  }
0x1e: {  	[tilespmem:s29+$0x28E0] =	vst v0;
	s29 =	sshra.s32 s30, $0x2;
	s30 =	sadd.s32 $0x200, s30  }
0x1f: {  	[tilespmem:s29+$0x28F0] =	vst v0  }
0x20: {  	[tilespmem:s29+$0x2880] =	vst v0  }
0x21: {  	[tilespmem:s29+$0x2890] =	vst v0  }
0x22: {  	[tilespmem:s29+$0x28A0] =	vst v0  }
0x23: {  	[tilespmem:s29+$0x28B0] =	vst v0  }
0x24: {  	[tilespmem:s29+$0x28C0] =	vst v0  }
0x25: {  	[tilespmem:s29+$0x28D0] =	vst v0  }
0x26: {  	[tilespmem:s29+$0x28E0] =	vst v0  }
0x27: {  	[spmem:s4] =	stream.linear.scatter [tilespmem:s17], [sflag:$0x1], $0x4000, $0x38;
	[tilespmem:$0x1E480] =	vst v63  }
0x28: {  	_ = 	snop  }
0x29: {  	[spmem:s5] =	stream.linear.scatter [tilespmem:s17], [sflag:$0x1], $0x4000, $0x38;
	[tilespmem:$0x1E480] =	vst v63  }
0x2a: {  	_ = 	snop  }
0x2b: {  	[spmem:s6] =	stream.linear.scatter [tilespmem:s17], [sflag:$0x1], $0x4000, $0x38;
	[tilespmem:$0x1E480] =	vst v63  }
0x2c: {  	_ = 	snop  }
0x2d: {  	[spmem:s7] =	stream.linear.scatter [tilespmem:s17], [sflag:$0x1], $0x4000, $0x38;
	[tilespmem:$0x1E480] =	vst v63  }
0x2e: {  	_ = 	snop  }
0x2f: {  	[spmem:s8] =	stream.linear.scatter [tilespmem:s17], [sflag:$0x2], $0x3C00, $0x38;
	[tilespmem:$0x1E480] =	vst v63  }
0x30: {  	s29 =	simm.s32 $0x0  }
0x31: {  	[tilespmem:s29], [sflag:$0x3] =	stream.linear.gather [hbm4b:s9+s29], $0x2700, $0x38;
	[tilespmem:$0x1E480] =	vst v63  }
0x32: {  	_ =	swait.ge [sflag:s18], $0x2700  }
0x33: {  	[sflag:s18] =	ssyncset.done $0x0  }
0x34: {  	[sflag:s18] =	ssyncadd.s32 $0xFFFFD900  }
0x35: {  	[tilespmem:s19], [sflag:$0x3] =	stream.linear.gather [hbm4b:s10+s29], $0x80, $0x38;
	[tilespmem:$0x1E480] =	vst v63  }
0x36: {  	_ =	swait.ge [sflag:s18], $0x80  }
0x37: {  	[sflag:s18] =	ssyncset.done $0x0  }
0x38: {  	[sflag:s18] =	ssyncadd.s32 $0xFFFFFF80  }
0x39: {  	_ =	swait.ge [sflag:s20], $0x4000  }
0x3a: {  	[sflag:s20] =	ssyncset.done $0x0  }
0x3b: {  	[sflag:s20] =	ssyncadd.s32 $0xFFFFC000  }
0x3c: {  	_ =	swait.ge [sflag:s20], $0x4000  }
0x3d: {  	[sflag:s20] =	ssyncset.done $0x0  }
0x3e: {  	[sflag:s20] =	ssyncadd.s32 $0xFFFFC000  }
0x3f: {  	_ =	swait.ge [sflag:s20], $0x4000  }
0x40: {  	[sflag:s20] =	ssyncset.done $0x0  }
0x41: {  	[sflag:s20] =	ssyncadd.s32 $0xFFFFC000  }
0x42: {  	_ =	swait.ge [sflag:s20], $0x4000  }
0x43: {  	[sflag:s20] =	ssyncset.done $0x0  }
0x44: {  	[sflag:s20] =	ssyncadd.s32 $0xFFFFC000  }
0x45: {  	_ =	swait.ge [sflag:s21], $0x3C00  }
0x46: {  	[sflag:s21] =	ssyncset.done $0x0  }
0x47: {  	[sflag:s21] =	ssyncadd.s32 $0xFFFFC400  }
0x48: {  	[bflag:$0x0] =	sbarrier.arrive $0xFFFF  }
0x49: {  	[tilespmem:s17], [sflag:$0x1] =	stream.linear.gather [hbm4b:s11+s29], $0x4000, $0x38;
	[tilespmem:$0x1E480] =	vst v63  }
0x4a: {  	s29 =	sadd.s32 $0xFFFFF800, s16  }
0x4b: {  	[tilespmem:s22], [sflag:$0x2] =	stream.linear.gather [hbm4b:s29+s3], $0x4000, $0x38;
	[tilespmem:$0x1E480] =	vst v63  }
0x4c: {  	_ =	swait.ge [sflag:s20], $0x4000  }
0x4d: {  	[sflag:s20] =	ssyncset.done $0x0  }
0x4e: {  	s29 =	simm.s32 $0x0;
	[sflag:s20] =	ssyncadd.s32 $0xFFFFC000  }
0x4f: {  	[spmem:s2] =	stream.indirect.scatter.add.f32 [tilespmem:s17], [sflag:$0x3], $0x80, s29, s23, $0xb8;
	[tilespmem:$0x1E480] =	vst v63  }
0x50: {  	_ =	swait.ge [sflag:s18], $0x4000  }
0x51: {  	[sflag:s18] =	ssyncset.done $0x0  }
0x52: {  	[sflag:s18] =	ssyncadd.s32 $0xFFFFC000  }
0x53: {  	[tilespmem:s17], [sflag:$0x1] =	stream.linear.gather [hbm4b:s16+s3], $0x4000, $0x38;
	[tilespmem:$0x1E480] =	vst v63  }
0x54: {  	_ =	swait.ge [sflag:s21], $0x4000  }
0x55: {  	[sflag:s21] =	ssyncset.done $0x0  }
0x56: {  	s29 =	simm.s32 $0x80;
	[sflag:s21] =	ssyncadd.s32 $0xFFFFC000  }
0x57: {  	[spmem:s2] =	stream.indirect.scatter.add.f32 [tilespmem:s22], [sflag:$0x3], $0x80, s29, s23, $0xb8;
	[tilespmem:$0x1E480] =	vst v63  }
0x58: {  	s30 =	simm.s32 $0x400;
	_ =	swait.ge [sflag:s18], $0x4000  }
0x59: {  	s31 =	simm.s32 $0x800;
	s29 =	sadd.s32 $0x1000, s16;
	[sflag:s18] =	ssyncset.done $0x0  }
.LBB2_4:
0x5a: {  	p0 =	sne.s32 s31, $0x9400;
	s0 =	sadd.s32 $0xFFFFF800, s29;
	[sflag:s18] =	ssyncadd.s32 $0xFFFFC000  }
0x5b: {  	[tilespmem:s22], [sflag:$0x2] =	stream.linear.gather [hbm4b:s0+s3], $0x4000, $0x38;
	[tilespmem:$0x1E480] =	vst v63  }
0x5c: {  	s0 =	smov.u32 s31;
	s31 =	sadd.s32 $0x400, s31;
	_ =	swait.ge [sflag:s20], $0x4000  }
0x5d: {  	[sflag:s20] =	ssyncset.done $0x0  }
0x5e: {  	s1 =	sshra.s32 s30, $0x2;
	s30 =	smov.u32 s0;
	[sflag:s20] =	ssyncadd.s32 $0xFFFFC000  }
0x5f: {  	[spmem:s2] =	stream.indirect.scatter.add.f32 [tilespmem:s17], [sflag:$0x3], $0x80, s1, s23, $0xb8;
	[tilespmem:$0x1E480] =	vst v63  }
0x60: {  	_ =	swait.ge [sflag:s18], $0x4000  }
0x61: {  	[sflag:s18] =	ssyncset.done $0x0  }
0x62: {  	[sflag:s18] =	ssyncadd.s32 $0xFFFFC000  }
0x63: {  	[tilespmem:s17], [sflag:$0x1] =	stream.linear.gather [hbm4b:s29+s3], $0x4000, $0x38;
	[tilespmem:$0x1E480] =	vst v63  }
0x64: {  	_ =	swait.ge [sflag:s21], $0x4000  }
.Ltmp1:
0x65: {  	[sflag:s21] =	ssyncset.done $0x0;
	(pc) =	sbr.rel @p0 .LBB2_4-.Ltmp1, $4  }
0x66: {  	s0 =	sadd.s32 $0x80, s1;
	[sflag:s21] =	ssyncadd.s32 $0xFFFFC000  }
0x67: {  	[spmem:s2] =	stream.indirect.scatter.add.f32 [tilespmem:s22], [sflag:$0x3], $0x80, s0, s23, $0xb8;
	[tilespmem:$0x1E480] =	vst v63  }
0x68: {  	_ =	swait.ge [sflag:s18], $0x4000  }
0x69: {  	s29 =	sadd.s32 $0x1000, s29;
	[sflag:s18] =	ssyncset.done $0x0  }
0x6a: {  	s0 =	sadd.s32 $0xFFFFF800, s29;
	[sflag:s18] =	ssyncadd.s32 $0xFFFFC000  }
0x6b: {  	[tilespmem:s22], [sflag:$0x2] =	stream.linear.gather [hbm4b:s0+s3], $0x4000, $0x38;
	[tilespmem:$0x1E480] =	vst v63  }
0x6c: {  	_ =	swait.ge [sflag:s20], $0x4000  }
0x6d: {  	[sflag:s20] =	ssyncset.done $0x0  }
0x6e: {  	s30 =	sshra.s32 s30, $0x2;
	[sflag:s20] =	ssyncadd.s32 $0xFFFFC000  }
0x6f: {  	[spmem:s2] =	stream.indirect.scatter.add.f32 [tilespmem:s17], [sflag:$0x3], $0x80, s30, s23, $0xb8;
	[tilespmem:$0x1E480] =	vst v63  }
0x70: {  	_ =	swait.ge [sflag:s18], $0x4000  }
0x71: {  	[sflag:s18] =	ssyncset.done $0x0  }
0x72: {  	[sflag:s18] =	ssyncadd.s32 $0xFFFFC000  }
0x73: {  	[tilespmem:s17], [sflag:$0x1] =	stream.linear.gather [hbm4b:s29+s3], $0x4000, $0x38;
	[tilespmem:$0x1E480] =	vst v63  }
0x74: {  	_ =	swait.ge [sflag:s21], $0x4000  }
0x75: {  	[sflag:s21] =	ssyncset.done $0x0  }
0x76: {  	s0 =	sadd.s32 $0x80, s30;
	[sflag:s21] =	ssyncadd.s32 $0xFFFFC000  }
0x77: {  	[spmem:s2] =	stream.indirect.scatter.add.f32 [tilespmem:s22], [sflag:$0x3], $0x80, s0, s23, $0xb8;
	[tilespmem:$0x1E480] =	vst v63  }
0x78: {  	_ =	swait.ge [sflag:s18], $0x4000  }
0x79: {  	[sflag:s18] =	ssyncset.done $0x0  }
0x7a: {  	[sflag:s18] =	ssyncadd.s32 $0xFFFFC000  }
0x7b: {  	_ =	swait.ge [sflag:s20], $0x4000  }
0x7c: {  	[sflag:s20] =	ssyncset.done $0x0  }
0x7d: {  	[sflag:s20] =	ssyncadd.s32 $0xFFFFC000  }
0x7e: {  	[tilespmem:s22], [sflag:$0x2] =	stream.linear.gather [hbm4b:s12+s3], $0x4000, $0x38;
	[tilespmem:$0x1E480] =	vst v63  }
0x7f: {  	_ = 	snop  }
0x80: {  	[spmem:s2] =	stream.indirect.scatter.add.f32 [tilespmem:s17], [sflag:$0x3], $0x80, s24, s23, $0xb8;
	[tilespmem:$0x1E480] =	vst v63  }
0x81: {  	_ =	swait.ge [sflag:s18], $0x4000  }
0x82: {  	[sflag:s18] =	ssyncset.done $0x0  }
0x83: {  	[sflag:s18] =	ssyncadd.s32 $0xFFFFC000  }
0x84: {  	[tilespmem:s17], [sflag:$0x3] =	stream.linear.gather [hbm4b:s13+s3], $0x800, $0x38;
	[tilespmem:$0x1E480] =	vst v63  }
0x85: {  	_ =	swait.ge [sflag:s18], $0x800  }
0x86: {  	[sflag:s18] =	ssyncset.done $0x0  }
0x87: {  	[sflag:s18] =	ssyncadd.s32 $0xFFFFF800  }
0x88: {  	_ =	swait.ge [sflag:s21], $0x4000  }
0x89: {  	[sflag:s21] =	ssyncset.done $0x0  }
0x8a: {  	[sflag:s21] =	ssyncadd.s32 $0xFFFFC000  }
0x8b: {  	[spmem:s2] =	stream.indirect.scatter.add.f32 [tilespmem:s22], [sflag:$0x3], $0x80, s25, s23, $0xb8;
	[tilespmem:$0x1E480] =	vst v63  }
0x8c: {  	_ =	swait.ge [sflag:s18], $0x4000  }
0x8d: {  	[sflag:s18] =	ssyncset.done $0x0  }
0x8e: {  	[sflag:s18] =	ssyncadd.s32 $0xFFFFC000  }
0x8f: {  	[spmem:s2] =	stream.indirect.scatter.add.f32 [tilespmem:s17], [sflag:$0x3], $0x80, s19, s26, $0xb8;
	[tilespmem:$0x1E480] =	vst v63  }
0x90: {  	s31 =	stileid.u32;
	_ =	swait.ge [sflag:s18], $0x800  }
0x91: {  	s1 =	sshrl.u32 s4, $0x3;
	s28 =	sadd.s32 $0x1, s28;
	[sflag:s18] =	ssyncset.done $0x0  }
0x92: {  	p0 =	sne.s32 s28, s15;
	s0 =	sshll.u32 s31, $0x6;
	[sflag:s18] =	ssyncadd.s32 $0xFFFFF800  }
.Ltmp2:
0x93: {  	s0 =	sor.u32 $0x1C03, s0;
	[bflag:$0x0] =	sbarrier.arrive $0xFFFF;
	(pc) =	sbr.rel @p0 .LBB2_1-.Ltmp2, $4  }
0x94: {  	[hbm:s14], [sflag:s0] =	dma.local [spmem:s1], $0x2780  }
0x95: {  	_ =	swait.ge [sflag:s18], $0x2780  }
0x96: {  	[sflag:s18] =	ssyncset.done $0x0  }
0x97: {  	[sflag:s18] =	ssyncadd.s32 $0xFFFFD880  }
0x98: {  	_ =	sfence.sel $0x180000  }
0x99: {  	[bflag:$0x0] =	sbarrier.arrive $0xFFFF  }
0x9a: {  	_ =	strace $0x90000047  }
0x9b: {  	s0 =	stileid.u32;
	[bflag:$0x2] =	sbarrier.arrive $0xFFFF  }
0x9c: {  	p0 =	sne.s32 s0, $0x0;
	s0 =	rddreg [dreg:$0x4]  }
0x9d: {  	s0 =	sadd.s32 @!p0 $0x100000, s0  }
0x9e: {  	[sflag:s0] =	ssyncadd.tile.s32 @!p0 $0x1;
	_ =	shalt  }
.Lfunc_end2:
_tile_overlayer_lowered:
.L_overlay_start_2:
0x9f: {  	(tag) =	ssettag $0x2  }
0xa0: {  	s0 =	rddreg [dreg:$0x0];
	s2 =	stileid.u32  }
0xa1: {  	s1 =	rddreg [dreg:$0x1];
	p0 =	sne.s32 s2, $0x0  }
0xa2: {  	s3 =	rddreg [dreg:$0x2];
	[bflag:$0x3] =	sbarrier.arrive $0xFFFF;
	s2 =	simm.s32 @!p0 $0x1C03  }
0xa3: {  	[timem:s3], [sflag:s2] =	dma.local @!p0 [hbm:s0], s1  }
0xa4: {  	s0 =	simm.s32 @!p0 $0x3  }
0xa5: {  	_ =	swait.ge @!p0 [sflag:s0], s1  }
0xa6: {  	s1 =	ssub.s32 @!p0 $0x0, s1;
	[sflag:s0] =	ssyncset.done @!p0 $0x0  }
0xa7: {  	[sflag:s0] =	ssyncadd.s32 @!p0 s1  }
0xa8: {  	[bflag:$0x3] =	sbarrier.arrive $0xFFFF  }
0xa9: {  	_ =	shalt  }

</sc_bundles>
